<compile_context>
chip_gen: v7x
topology: tpu7x:2x2x1
jax: 0.10.2.dev20260603
libtpu: 0.0.44.dev20260713+nightly
codegen_flags: <defaults>
</compile_context>

<pallas_src>
import functools
import math

import jax
import jax.numpy as jnp
from jax import lax
from jax.experimental import pallas as pl
from jax.experimental.pallas import tpu as pltpu
from jax.experimental.pallas import tpu_sc as plsc

N_FFT = 2048
HOP = 512
GAMMA = 2 * math.pi * ((-(N_FFT ** 2) / (8 * math.log(0.01))) ** 0.5) ** 2
ABSTOL = 1e-10
N = N_FFT // 2 + 1
NV = 65
NPAD = NV * 16
NIN = N + 32
VB = NIN + 32

INV4F = 1.0 / (4.0 * (GAMMA / (2 * HOP * N_FFT)))
LINC = 2 * math.pi * HOP / N_FFT
LN2 = 0.6931471805599453
SQRT2 = 1.4142135623730951
NEG = -3.4e38

_GDN = lax.GatherDimensionNumbers(
    offset_dims=(), collapsed_slice_dims=(0,), start_index_map=(0,))


def _gat(x, idx):
    return lax.gather(x, idx[:, None], _GDN, (1,),
                      mode=lax.GatherScatterMode.PROMISE_IN_BOUNDS)


def _log16(xr):
    bits = plsc.bitcast(xr, jnp.int32)
    e = lax.shift_right_logical(bits, 23) - 127
    mbits = (bits & 0x007FFFFF) | 0x3F800000
    m = plsc.bitcast(mbits, jnp.float32)
    big = m > SQRT2
    m = jnp.where(big, m * 0.5, m)
    e = e + jnp.where(big, 1, 0)
    t = m - 1.0
    s = t / (2.0 + t)
    z = s * s
    w = jnp.float32(1.0 / 7.0)
    w = jnp.float32(1.0 / 5.0) + z * w
    w = jnp.float32(1.0 / 3.0) + z * w
    return e.astype(jnp.float32) * jnp.float32(LN2) + (2.0 * s + (2.0 * s) * (z * w))


def _lex_scan_steps(m, bi, f, sidx, sinr):
    for k in range(4):
        ms = jnp.where(sinr[k], _gat(m, sidx[k]), NEG)
        is_ = _gat(bi, sidx[k])
        fs = jnp.where(sinr[k], _gat(f, sidx[k]), 0)
        take = (f == 0) & ((ms > m) | ((ms == m) & (is_ < bi)))
        m = jnp.where(take, ms, m)
        bi = jnp.where(take, is_, bi)
        f = f | fs
    return m, bi, f


def _lex_carry(m, bi, f, mc, ic):
    take = (f == 0) & ((mc > m) | ((mc == m) & (ic < bi)))
    return jnp.where(take, mc, m), jnp.where(take, ic, bi)


def _body(x_hbm, out_hbm, xv, vbuf, cc, mf, jf, ph):
    cid = lax.axis_index("c")
    sid = lax.axis_index("s")

    @pl.when((cid == 0) & (sid == 0))
    def _():
        pltpu.sync_copy(x_hbm, xv.at[pl.ds(0, N)])
        xv[pl.ds(N, 16)] = jnp.full((16,), 0.5, jnp.float32)
        xv[pl.ds(N + 16, 16)] = jnp.full((16,), 0.5, jnp.float32)
        lane = lax.iota(jnp.int32, 16)
        i0 = jnp.zeros((16,), jnp.int32)
        i15 = jnp.full((16,), 15, jnp.int32)
        lm1 = jnp.maximum(lane - 1, 0)
        lm2 = jnp.maximum(lane - 2, 0)
        lp1 = jnp.minimum(lane + 1, 15)
        l14 = jnp.minimum(lane + 14, 15)
        sidx = [jnp.maximum(lane - d, 0) for d in (1, 2, 4, 8)]
        sinr = [lane >= d for d in (1, 2, 4, 8)]
        negv = jnp.full((16,), -1.0, jnp.float32)
        vbuf[pl.ds(0, 16)] = negv
        vbuf[pl.ds(NIN + 16, 16)] = negv
        v0_init = _log16(xv[pl.ds(0, 16)])
        vbuf[pl.ds(16, 16)] = v0_init

        def p1_step(b, carry):
            cs, mc, ic, vm1, vp0 = carry
            base = 16 + b * 16
            vnx = _log16(xv[pl.ds(b * 16 + 16, 16)])
            vbuf[pl.ds(base + 16, 16)] = vnx
            vm1v = jnp.where(lane >= 1, _gat(vp0, lm1), _gat(vm1, i15))
            vm2v = jnp.where(lane >= 2, _gat(vp0, lm2), _gat(vm1, l14))
            vp1v = jnp.where(lane <= 14, _gat(vp0, lp1), _gat(vnx, i0))
            jj = lane + b * 16
            ja = jj - 1
            ga = jnp.float32(INV4F) * (vp0 - vm2v) + jnp.float32(LINC) * ja.astype(jnp.float32)
            ga = jnp.where((ja >= 1) & (ja <= N - 2), ga, 0.0)
            gb = jnp.float32(INV4F) * (vp1v - vm1v) + jnp.float32(LINC) * jj.astype(jnp.float32)
            gb = jnp.where((jj >= 1) & (jj <= N - 2), gb, 0.0)
            dstep = jnp.where(jj >= 1, 0.5 * (ga + gb), 0.0)
            cvec = plsc.cumsum(dstep) + cs
            cc[pl.ds(b * 16, 16)] = cvec
            act = vp0 > ABSTOL
            m = jnp.where(act, vp0, NEG)
            f = (jnp.logical_not(act) | (vm1v <= ABSTOL)).astype(jnp.int32)
            m, bi, f = _lex_scan_steps(m, jj, f, sidx, sinr)
            m, bi = _lex_carry(m, bi, f, mc, ic)
            mf[pl.ds(b * 16, 16)] = m
            jf[pl.ds(b * 16, 16)] = bi
            return _gat(cvec, i15), _gat(m, i15), _gat(bi, i15), vp0, vnx

        plsc.parallel_loop(0, NV, 1, unroll=2, carry=(
            jnp.zeros((16,), jnp.float32),
            jnp.full((16,), NEG, jnp.float32),
            jnp.zeros((16,), jnp.int32),
            negv, v0_init))(p1_step)

        def p2_step(t, carry):
            bb = NV - 1 - t
            mc, ic = carry
            base = 16 + bb * 16
            v0 = vbuf[pl.ds(base, 16)]
            vp1 = vbuf[pl.ds(base + 1, 16)]
            act = v0 > ABSTOL
            jj = lane + bb * 16
            mr = lax.rev(jnp.where(act, v0, NEG), (0,))
            br = lax.rev(jj, (0,))
            fr = lax.rev((jnp.logical_not(act) | (vp1 <= ABSTOL)).astype(jnp.int32), (0,))
            mr, br, fr = _lex_scan_steps(mr, br, fr, sidx, sinr)
            mr, br = _lex_carry(mr, br, fr, mc, ic)
            nmc = _gat(mr, i15)
            nic = _gat(br, i15)
            mb = lax.rev(mr, (0,))
            jb = lax.rev(br, (0,))
            mfv = mf[pl.ds(bb * 16, 16)]
            jfv = jf[pl.ds(bb * 16, 16)]
            take = (mb > mfv) | ((mb == mfv) & (jb < jfv))
            seed = jnp.where(take, jb, jfv)
            cs = plsc.load_gather(cc, [seed])
            cv = cc[pl.ds(bb * 16, 16)]
            ph[pl.ds(bb * 16, 16)] = jnp.where(act, cv - cs, 0.0)
            return nmc, nic

        plsc.parallel_loop(0, NV, 1, unroll=2, carry=(
            jnp.full((16,), NEG, jnp.float32),
            jnp.zeros((16,), jnp.int32)))(p2_step)

        pltpu.sync_copy(ph.at[pl.ds(0, N)], out_hbm)


_pghi_sc = functools.partial(
    pl.kernel,
    out_type=jax.ShapeDtypeStruct((N,), jnp.float32),
    mesh=plsc.VectorSubcoreMesh(core_axis_name="c", subcore_axis_name="s",
                                num_cores=1),
    compiler_params=pltpu.CompilerParams(needs_layout_passes=False),
    scratch_types=[
        pltpu.VMEM((NIN,), jnp.float32),
        pltpu.VMEM((VB,), jnp.float32),
        pltpu.VMEM((NPAD,), jnp.float32),
        pltpu.VMEM((NPAD,), jnp.float32),
        pltpu.VMEM((NPAD,), jnp.int32),
        pltpu.VMEM((NPAD,), jnp.float32),
    ],
)(_body)


def kernel(x, mag_buffer):
    return _pghi_sc(x.reshape(N)).reshape(x.shape)

# --- scband reference (transcript-rebuilt; emitter-appended) ---
"""Pipeline reference for scband-online-pghi-66073776882009 (READ-ONLY COPY).

The authoritative reference and input builder live on the scoring server;
editing this copy changes nothing except your own understanding.
"""

import math, heapq
import jax, jax.numpy as jnp
import numpy as np

N_FFT = 2048
HOP = 512
GAMMA = 2 * math.pi * ((-(N_FFT ** 2) / (8 * math.log(0.01))) ** 0.5) ** 2
ABSTOL = 1e-10


def _hgi_edges(mag, abstol=ABSTOL):
    # Faithful re-implementation of the heap-based HGI traversal (perform_hgi)
    # operating on the last-two-dims grid. Records the propagation edges
    # (parent, child, sign, grad_kind) in processing order. grad_kind 0 -> fgradw
    # (dim0 / N-S neighbors), grad_kind 1 -> tgradw (dim1 / E-W neighbors).
    mag = np.array(mag, dtype=np.float64, copy=True)
    M2, N = mag.shape
    edges = []
    heap = []
    cnt = 0
    max_val = float(mag.max())
    if max_val <= abstol:
        return edges
    pos = tuple(int(v) for v in np.unravel_index(int(np.argmax(mag)), mag.shape))
    heapq.heappush(heap, (-max_val, cnt, pos)); cnt += 1
    mag[pos] = abstol
    while max_val > abstol:
        while heap:
            _, _, p = heapq.heappop(heap)
            col, row = p
            if col < M2 - 1 and mag[col + 1, row] > abstol:
                c = (col + 1, row)
                edges.append((p, c, 1.0, 0))
                heapq.heappush(heap, (-float(mag[c]), cnt, c)); cnt += 1
                mag[c] = abstol
            if col > 0 and mag[col - 1, row] > abstol:
                c = (col - 1, row)
                edges.append((p, c, -1.0, 0))
                heapq.heappush(heap, (-float(mag[c]), cnt, c)); cnt += 1
                mag[c] = abstol
            if row < N - 1 and mag[col, row + 1] > abstol:
                c = (col, row + 1)
                edges.append((p, c, 1.0, 1))
                heapq.heappush(heap, (-float(mag[c]), cnt, c)); cnt += 1
                mag[c] = abstol
            if row > 0 and mag[col, row - 1] > abstol:
                c = (col, row - 1)
                edges.append((p, c, -1.0, 1))
                heapq.heappush(heap, (-float(mag[c]), cnt, c)); cnt += 1
                mag[c] = abstol
        max_val = float(mag.max())
        pos = tuple(int(v) for v in np.unravel_index(int(np.argmax(mag)), mag.shape))
        heapq.heappush(heap, (-max_val, cnt, pos)); cnt += 1
        mag[pos] = abstol
    return edges


def setup_inputs(seed: int = 0):
    key = jax.random.key(seed)
    k1, _ = jax.random.split(key)
    # spectrogram magnitudes must be positive (log is taken); shift uniform away from 0
    x = jax.random.uniform(k1, (1, 1, N_FFT // 2 + 1), dtype=jnp.float32, minval=0.1, maxval=2.1)
    mag_buffer = jnp.zeros((1, 1, 2, N_FFT // 2 - 1), dtype=jnp.float32)
    return {"x": x, "mag_buffer": mag_buffer}


def reference(x, mag_buffer):
    x_log = jnp.log(x)
    fmul = GAMMA / (2 * HOP * N_FFT)
    dphase_w = -fmul * (3 * x_log[..., 1:-1] - 4 * mag_buffer[..., 0, :] - mag_buffer[..., 1, :])
    dphase_t = (1.0 / (4 * fmul)) * (x_log[..., 2:] - x_log[..., :-2])
    dphase_t = dphase_t + 2 * jnp.pi * HOP * jnp.arange(1, N_FFT // 2) / N_FFT
    # HGI over the last-two-dims grid (1, n_fft//2+1)
    mag2 = x_log[0]
    # pad the (N-2)-length phase gradients with zeros at both boundary bins
    tg = jnp.pad(dphase_t[0], ((0, 0), (1, 1)))
    fg = jnp.pad(dphase_w[0], ((0, 0), (1, 1)))
    N = mag2.shape[1]
    v = mag2[0]
    g1 = tg[0]
    active = v > ABSTOL
    idx = jnp.arange(N)
    seg = jnp.cumsum(jnp.logical_not(active).astype(jnp.int32))
    vmask = jnp.where(active, v, -jnp.inf)
    segmax = jax.ops.segment_max(vmask, seg, num_segments=N + 1)
    cand = active & (v == segmax[seg])
    seedidx = jax.ops.segment_min(jnp.where(cand, idx, N), seg, num_segments=N + 1)
    s_i = seedidx[seg]
    is_seed = idx == s_i
    half = (g1[:-1] + g1[1:]) / 2.0
    dstep = jnp.concatenate([jnp.zeros((1,), g1.dtype), half])
    dnext = jnp.concatenate([half, jnp.zeros((1,), g1.dtype)])
    a_prev = jnp.concatenate([jnp.zeros((1,), bool), active[:-1]])
    a_next = jnp.concatenate([active[1:], jnp.zeros((1,), bool)])

    def _fwd(r, t):
        a, ap, sflag, dd = t
        val = jnp.where(a & jnp.logical_not(sflag) & ap, r + dd, jnp.zeros((), g1.dtype))
        return val, val

    def _bwd(r, t):
        a, an, sflag, dd = t
        val = jnp.where(a & jnp.logical_not(sflag) & an, r - dd, jnp.zeros((), g1.dtype))
        return val, val

    _, p_r = jax.lax.scan(_fwd, jnp.zeros((), g1.dtype), (active, a_prev, is_seed, dstep))
    _, p_l_rev = jax.lax.scan(_bwd, jnp.zeros((), g1.dtype), (active[::-1], a_next[::-1], is_seed[::-1], dnext[::-1]))
    p_l = p_l_rev[::-1]
    phase = jnp.where(active, jnp.where(idx >= s_i, p_r, p_l), jnp.zeros((), g1.dtype))
    phase = phase.reshape(mag2.shape).astype(x_log.dtype)
    return phase.reshape(x.shape)

if __name__ == "__main__":
    import jax
    _d = setup_inputs()
    print(jax.jit(kernel)(*tuple(_d.values())))

</pallas_src>

<mosaic_0001>
#map = affine_map<(d0, d1) -> (0)>
module attributes {stable_mosaic.version = 14 : i64} {
  func.func @_body(%arg0: i32, %arg1: i32, %arg2: memref<1025xf32, #tpu.memory_space<hbm>>, %arg3: memref<1025xf32, #tpu.memory_space<hbm>>, %arg4: memref<1057xf32, #tpu.memory_space<vmem>>, %arg5: memref<1089xf32, #tpu.memory_space<vmem>>, %arg6: memref<1040xf32, #tpu.memory_space<vmem>>, %arg7: memref<1040xf32, #tpu.memory_space<vmem>>, %arg8: memref<1040xi32, #tpu.memory_space<vmem>>, %arg9: memref<1040xf32, #tpu.memory_space<vmem>>) attributes {dimension_semantics = [#tpu.dimension_semantics<core_parallel>, #tpu.dimension_semantics<subcore_parallel>], iteration_bounds = array<i64: 1, 16>, scalar_prefetch = 0 : i64, scratch_operands = 6 : i64, tpu.core_type = #tpu.core_type<sc_vector_subcore>, window_params = [{transform_indices = #map}, {transform_indices = #map}]} {
    %eq3A = arith.constant 0 : i32
    %eq3A_0 = arith.cmpi eq, %arg0, %eq3A : i32
    %eq3A_1 = arith.constant 0 : i32
    %eq3A_2 = arith.cmpi eq, %arg1, %eq3A_1 : i32
    %and3A = arith.andi %eq3A_0, %eq3A_2 : i1
    %convert_element_type3A = arith.extui %and3A : i1 to i32
    %cond3A = arith.constant 0 : i32
    %cond3A_3 = arith.cmpi ne, %convert_element_type3A, %cond3A : i32
    scf.if %cond3A_3 {
      "tpu.region"() ({
        %run_scoped3A = tpu.sem_alloc : memref<!tpu.dma_semaphore, #tpu.memory_space<semaphore_mem>>
        %dma_start3A = arith.constant 0 : i32
        %dma_start3A_146 = tpu.memref_slice %arg4[%dma_start3A] : memref<1057xf32, #tpu.memory_space<vmem>> -> memref<1025xf32, #tpu.memory_space<vmem>>
        %dma_start3A_147 = arith.constant 0 : i32
        %dma_start3A_148 = tpu.memref_slice %arg4[%dma_start3A_147] : memref<1057xf32, #tpu.memory_space<vmem>> -> memref<1025xf32, #tpu.memory_space<vmem>>
        tpu.enqueue_dma source(%arg2 : memref<1025xf32, #tpu.memory_space<hbm>>) target(%dma_start3A_148 : memref<1025xf32, #tpu.memory_space<vmem>>) target_semaphore(%run_scoped3A : memref<!tpu.dma_semaphore, #tpu.memory_space<semaphore_mem>>)
        %dma_wait3A = arith.constant 0 : i32
        %dma_wait3A_149 = tpu.memref_slice %arg4[%dma_wait3A] : memref<1057xf32, #tpu.memory_space<vmem>> -> memref<1025xf32, #tpu.memory_space<vmem>>
        %dma_wait3A_150 = arith.constant 0 : i32
        %dma_wait3A_151 = tpu.memref_slice %arg4[%dma_wait3A_150] : memref<1057xf32, #tpu.memory_space<vmem>> -> memref<1025xf32, #tpu.memory_space<vmem>>
        tpu.wait_dma2 semaphore(%run_scoped3A : memref<!tpu.dma_semaphore, #tpu.memory_space<semaphore_mem>>) src(%arg2 : memref<1025xf32, #tpu.memory_space<hbm>>) dst(%dma_wait3A_151 : memref<1025xf32, #tpu.memory_space<vmem>>)
        tpu.yield
      }) : () -> ()
      %broadcast_in_dim3A = arith.constant 5.000000e-01 : f32
      %broadcast_in_dim3A_4 = vector.broadcast %broadcast_in_dim3A : f32 to vector<16xf32>
      %swap3A = arith.constant 1025 : index
      %swap3A_5 = tpu.vector_load %arg4[%swap3A] {strides = array<i32>} : memref<1057xf32, #tpu.memory_space<vmem>>, vector<16xf32>,
      tpu.vector_store %arg4[%swap3A], %broadcast_in_dim3A_4 {strides = array<i32>} : memref<1057xf32, #tpu.memory_space<vmem>>, vector<16xf32>,
      %broadcast_in_dim3A_6 = arith.constant 5.000000e-01 : f32
      %broadcast_in_dim3A_7 = vector.broadcast %broadcast_in_dim3A_6 : f32 to vector<16xf32>
      %swap3A_8 = arith.constant 1041 : index
      %swap3A_9 = tpu.vector_load %arg4[%swap3A_8] {strides = array<i32>} : memref<1057xf32, #tpu.memory_space<vmem>>, vector<16xf32>,
      tpu.vector_store %arg4[%swap3A_8], %broadcast_in_dim3A_7 {strides = array<i32>} : memref<1057xf32, #tpu.memory_space<vmem>>, vector<16xf32>,
      %iota3A = tpu.iota {dimensions = array<i32: 0>} : vector<16xi32>
      %broadcast_in_dim3A_10 = arith.constant 0 : i32
      %broadcast_in_dim3A_11 = vector.broadcast %broadcast_in_dim3A_10 : i32 to vector<16xi32>
      %broadcast_in_dim3A_12 = arith.constant 15 : i32
      %broadcast_in_dim3A_13 = vector.broadcast %broadcast_in_dim3A_12 : i32 to vector<16xi32>
      %sub3A = arith.constant 1 : i32
      %sub3A_14 = vector.broadcast %sub3A : i32 to vector<16xi32>
      %sub3A_15 = arith.subi %iota3A, %sub3A_14 : vector<16xi32>
      %max3A = arith.constant 0 : i32
      %max3A_16 = vector.broadcast %max3A : i32 to vector<16xi32>
      %max3A_17 = arith.maxsi %sub3A_15, %max3A_16 : vector<16xi32>
      %sub3A_18 = arith.constant 2 : i32
      %sub3A_19 = vector.broadcast %sub3A_18 : i32 to vector<16xi32>
      %sub3A_20 = arith.subi %iota3A, %sub3A_19 : vector<16xi32>
      %max3A_21 = arith.constant 0 : i32
      %max3A_22 = vector.broadcast %max3A_21 : i32 to vector<16xi32>
      %max3A_23 = arith.maxsi %sub3A_20, %max3A_22 : vector<16xi32>
      %add3A = arith.constant 1 : i32
      %add3A_24 = vector.broadcast %add3A : i32 to vector<16xi32>
      %add3A_25 = arith.addi %iota3A, %add3A_24 : vector<16xi32>
      %min3A = arith.constant 15 : i32
      %min3A_26 = vector.broadcast %min3A : i32 to vector<16xi32>
      %min3A_27 = arith.minsi %add3A_25, %min3A_26 : vector<16xi32>
      %add3A_28 = arith.constant 14 : i32
      %add3A_29 = vector.broadcast %add3A_28 : i32 to vector<16xi32>
      %add3A_30 = arith.addi %iota3A, %add3A_29 : vector<16xi32>
      %min3A_31 = arith.constant 15 : i32
      %min3A_32 = vector.broadcast %min3A_31 : i32 to vector<16xi32>
      %min3A_33 = arith.minsi %add3A_30, %min3A_32 : vector<16xi32>
      %sub3A_34 = arith.constant 1 : i32
      %sub3A_35 = vector.broadcast %sub3A_34 : i32 to vector<16xi32>
      %sub3A_36 = arith.subi %iota3A, %sub3A_35 : vector<16xi32>
      %max3A_37 = arith.constant 0 : i32
      %max3A_38 = vector.broadcast %max3A_37 : i32 to vector<16xi32>
      %max3A_39 = arith.maxsi %sub3A_36, %max3A_38 : vector<16xi32>
      %sub3A_40 = arith.constant 2 : i32
      %sub3A_41 = vector.broadcast %sub3A_40 : i32 to vector<16xi32>
      %sub3A_42 = arith.subi %iota3A, %sub3A_41 : vector<16xi32>
      %max3A_43 = arith.constant 0 : i32
      %max3A_44 = vector.broadcast %max3A_43 : i32 to vector<16xi32>
      %max3A_45 = arith.maxsi %sub3A_42, %max3A_44 : vector<16xi32>
      %sub3A_46 = arith.constant 4 : i32
      %sub3A_47 = vector.broadcast %sub3A_46 : i32 to vector<16xi32>
      %sub3A_48 = arith.subi %iota3A, %sub3A_47 : vector<16xi32>
      %max3A_49 = arith.constant 0 : i32
      %max3A_50 = vector.broadcast %max3A_49 : i32 to vector<16xi32>
      %max3A_51 = arith.maxsi %sub3A_48, %max3A_50 : vector<16xi32>
      %sub3A_52 = arith.constant 8 : i32
      %sub3A_53 = vector.broadcast %sub3A_52 : i32 to vector<16xi32>
      %sub3A_54 = arith.subi %iota3A, %sub3A_53 : vector<16xi32>
      %max3A_55 = arith.constant 0 : i32
      %max3A_56 = vector.broadcast %max3A_55 : i32 to vector<16xi32>
      %max3A_57 = arith.maxsi %sub3A_54, %max3A_56 : vector<16xi32>
      %ge3A = arith.constant 1 : i32
      %ge3A_58 = vector.broadcast %ge3A : i32 to vector<16xi32>
      %ge3A_59 = arith.cmpi sge, %iota3A, %ge3A_58 : vector<16xi32>
      %ge3A_60 = arith.constant 2 : i32
      %ge3A_61 = vector.broadcast %ge3A_60 : i32 to vector<16xi32>
      %ge3A_62 = arith.cmpi sge, %iota3A, %ge3A_61 : vector<16xi32>
      %ge3A_63 = arith.constant 4 : i32
      %ge3A_64 = vector.broadcast %ge3A_63 : i32 to vector<16xi32>
      %ge3A_65 = arith.cmpi sge, %iota3A, %ge3A_64 : vector<16xi32>
      %ge3A_66 = arith.constant 8 : i32
      %ge3A_67 = vector.broadcast %ge3A_66 : i32 to vector<16xi32>
      %ge3A_68 = arith.cmpi sge, %iota3A, %ge3A_67 : vector<16xi32>
      %broadcast_in_dim3A_69 = arith.constant -1.000000e+00 : f32
      %broadcast_in_dim3A_70 = vector.broadcast %broadcast_in_dim3A_69 : f32 to vector<16xf32>
      %swap3A_71 = arith.constant 0 : index
      %swap3A_72 = tpu.vector_load %arg5[%swap3A_71] {strides = array<i32>} : memref<1089xf32, #tpu.memory_space<vmem>>, vector<16xf32>,
      tpu.vector_store %arg5[%swap3A_71], %broadcast_in_dim3A_70 {strides = array<i32>} : memref<1089xf32, #tpu.memory_space<vmem>>, vector<16xf32>,
      %swap3A_73 = arith.constant 1073 : index
      %swap3A_74 = tpu.vector_load %arg5[%swap3A_73] {strides = array<i32>} : memref<1089xf32, #tpu.memory_space<vmem>>, vector<16xf32>,
      tpu.vector_store %arg5[%swap3A_73], %broadcast_in_dim3A_70 {strides = array<i32>} : memref<1089xf32, #tpu.memory_space<vmem>>, vector<16xf32>,
      %get3A = arith.constant 0 : index
      %get3A_75 = tpu.vector_load %arg4[%get3A] {strides = array<i32>} : memref<1057xf32, #tpu.memory_space<vmem>>, vector<16xf32>,
      %bitcast3A = vector.bitcast %get3A_75 : vector<16xf32> to vector<16xi32>
      %shift_right_logical3A = arith.constant 23 : i32
      %shift_right_logical3A_76 = vector.broadcast %shift_right_logical3A : i32 to vector<16xi32>
      %shift_right_logical3A_77 = arith.shrui %bitcast3A, %shift_right_logical3A_76 : vector<16xi32>
      %sub3A_78 = arith.constant 127 : i32
      %sub3A_79 = vector.broadcast %sub3A_78 : i32 to vector<16xi32>
      %sub3A_80 = arith.subi %shift_right_logical3A_77, %sub3A_79 : vector<16xi32>
      %and3A_81 = arith.constant 8388607 : i32
      %and3A_82 = vector.broadcast %and3A_81 : i32 to vector<16xi32>
      %and3A_83 = arith.andi %bitcast3A, %and3A_82 : vector<16xi32>
      %or3A = arith.constant 1065353216 : i32
      %or3A_84 = vector.broadcast %or3A : i32 to vector<16xi32>
      %or3A_85 = arith.ori %and3A_83, %or3A_84 : vector<16xi32>
      %bitcast3A_86 = vector.bitcast %or3A_85 : vector<16xi32> to vector<16xf32>
      %gt3A = arith.constant 1.41421354 : f32
      %gt3A_87 = vector.broadcast %gt3A : f32 to vector<16xf32>
      %gt3A_88 = arith.cmpf ogt, %bitcast3A_86, %gt3A_87 : vector<16xf32>
      %mul3A = arith.constant 5.000000e-01 : f32
      %mul3A_89 = vector.broadcast %mul3A : f32 to vector<16xf32>
      %mul3A_90 = arith.mulf %bitcast3A_86, %mul3A_89 : vector<16xf32>
      %select_n3A = arith.select %gt3A_88, %mul3A_90, %bitcast3A_86 : vector<16xi1>, vector<16xf32>
      %jit3A = arith.constant 1 : i32
      %jit3A_91 = arith.constant 0 : i32
      %broadcast_in_dim3A_92 = vector.broadcast %jit3A : i32 to vector<16xi32>
      %broadcast_in_dim3A_93 = vector.broadcast %jit3A_91 : i32 to vector<16xi32>
      %select_n3A_94 = arith.select %gt3A_88, %broadcast_in_dim3A_92, %broadcast_in_dim3A_93 : vector<16xi1>, vector<16xi32>
      %add3A_95 = arith.addi %sub3A_80, %select_n3A_94 : vector<16xi32>
      %sub3A_96 = arith.constant 1.000000e+00 : f32
      %sub3A_97 = vector.broadcast %sub3A_96 : f32 to vector<16xf32>
      %sub3A_98 = arith.subf %select_n3A, %sub3A_97 : vector<16xf32>
      %add3A_99 = arith.constant 2.000000e+00 : f32
      %add3A_100 = vector.broadcast %add3A_99 : f32 to vector<16xf32>
      %add3A_101 = arith.addf %add3A_100, %sub3A_98 : vector<16xf32>
      %div3A = arith.divf %sub3A_98, %add3A_101 : vector<16xf32>
      %mul3A_102 = arith.mulf %div3A, %div3A : vector<16xf32>
      %mul3A_103 = arith.constant 0.142857149 : f32
      %mul3A_104 = vector.broadcast %mul3A_103 : f32 to vector<16xf32>
      %mul3A_105 = arith.mulf %mul3A_102, %mul3A_104 : vector<16xf32>
      %add3A_106 = arith.constant 2.000000e-01 : f32
      %add3A_107 = vector.broadcast %add3A_106 : f32 to vector<16xf32>
      %add3A_108 = arith.addf %add3A_107, %mul3A_105 : vector<16xf32>
      %mul3A_109 = arith.mulf %mul3A_102, %add3A_108 : vector<16xf32>
      %add3A_110 = arith.constant 0.333333343 : f32
      %add3A_111 = vector.broadcast %add3A_110 : f32 to vector<16xf32>
      %add3A_112 = arith.addf %add3A_111, %mul3A_109 : vector<16xf32>
      %convert_element_type3A_113 = arith.sitofp %add3A_95 : vector<16xi32> to vector<16xf32>
      %mul3A_114 = arith.constant 0.693147182 : f32
      %mul3A_115 = vector.broadcast %mul3A_114 : f32 to vector<16xf32>
      %mul3A_116 = arith.mulf %convert_element_type3A_113, %mul3A_115 : vector<16xf32>
      %mul3A_117 = arith.constant 2.000000e+00 : f32
      %mul3A_118 = vector.broadcast %mul3A_117 : f32 to vector<16xf32>
      %mul3A_119 = arith.mulf %mul3A_118, %div3A : vector<16xf32>
      %mul3A_120 = arith.constant 2.000000e+00 : f32
      %mul3A_121 = vector.broadcast %mul3A_120 : f32 to vector<16xf32>
      %mul3A_122 = arith.mulf %mul3A_121, %div3A : vector<16xf32>
      %mul3A_123 = arith.mulf %mul3A_102, %add3A_112 : vector<16xf32>
      %mul3A_124 = arith.mulf %mul3A_122, %mul3A_123 : vector<16xf32>
      %add3A_125 = arith.addf %mul3A_119, %mul3A_124 : vector<16xf32>
      %add3A_126 = arith.addf %mul3A_116, %add3A_125 : vector<16xf32>
      %swap3A_127 = arith.constant 16 : index
      %swap3A_128 = tpu.vector_load %arg5[%swap3A_127] {strides = array<i32>} : memref<1089xf32, #tpu.memory_space<vmem>>, vector<16xf32>,
      tpu.vector_store %arg5[%swap3A_127], %add3A_126 {strides = array<i32>} : memref<1089xf32, #tpu.memory_space<vmem>>, vector<16xf32>,
      %broadcast_in_dim3A_129 = arith.constant 0.000000e+00 : f32
      %broadcast_in_dim3A_130 = vector.broadcast %broadcast_in_dim3A_129 : f32 to vector<16xf32>
      %broadcast_in_dim3A_131 = arith.constant -3.400000e+38 : f32
      %broadcast_in_dim3A_132 = vector.broadcast %broadcast_in_dim3A_131 : f32 to vector<16xf32>
      %broadcast_in_dim3A_133 = arith.constant 0 : i32
      %broadcast_in_dim3A_134 = vector.broadcast %broadcast_in_dim3A_133 : i32 to vector<16xi32>
      %parallel_loop3A = arith.constant 0 : i32
      %parallel_loop3A_135 = arith.constant 65 : i32
      %parallel_loop3A_136 = arith.constant 1 : i32
      %parallel_loop3A_137:5 = scf.for %parallel_loop3A_146 = %parallel_loop3A to %parallel_loop3A_135 step %parallel_loop3A_136 iter_args(%parallel_loop3A_147 = %broadcast_in_dim3A_130, %parallel_loop3A_148 = %broadcast_in_dim3A_132, %parallel_loop3A_149 = %broadcast_in_dim3A_134, %parallel_loop3A_150 = %broadcast_in_dim3A_70, %parallel_loop3A_151 = %add3A_126) -> (vector<16xf32>, vector<16xf32>, vector<16xi32>, vector<16xf32>, vector<16xf32>)  : i32 {
        %parallel_loop3A_152 = arith.constant 16 : i32
        %parallel_loop3A_153 = arith.muli %parallel_loop3A_146, %parallel_loop3A_152 : i32
        %parallel_loop3A_154 = arith.constant 16 : i32
        %parallel_loop3A_155 = arith.addi %parallel_loop3A_154, %parallel_loop3A_153 : i32
        %parallel_loop3A_156 = arith.constant 16 : i32
        %parallel_loop3A_157 = arith.muli %parallel_loop3A_146, %parallel_loop3A_156 : i32
        %parallel_loop3A_158 = arith.constant 16 : i32
        %parallel_loop3A_159 = arith.addi %parallel_loop3A_157, %parallel_loop3A_158 : i32
        %parallel_loop3A_160 = arith.index_cast %parallel_loop3A_159 : i32 to index
        %parallel_loop3A_161 = tpu.vector_load %arg4[%parallel_loop3A_160] {strides = array<i32>} : memref<1057xf32, #tpu.memory_space<vmem>>, vector<16xf32>,
        %parallel_loop3A_162 = vector.bitcast %parallel_loop3A_161 : vector<16xf32> to vector<16xi32>
        %parallel_loop3A_163 = arith.constant 23 : i32
        %parallel_loop3A_164 = vector.broadcast %parallel_loop3A_163 : i32 to vector<16xi32>
        %parallel_loop3A_165 = arith.shrui %parallel_loop3A_162, %parallel_loop3A_164 : vector<16xi32>
        %parallel_loop3A_166 = arith.constant 127 : i32
        %parallel_loop3A_167 = vector.broadcast %parallel_loop3A_166 : i32 to vector<16xi32>
        %parallel_loop3A_168 = arith.subi %parallel_loop3A_165, %parallel_loop3A_167 : vector<16xi32>
        %parallel_loop3A_169 = arith.constant 8388607 : i32
        %parallel_loop3A_170 = vector.broadcast %parallel_loop3A_169 : i32 to vector<16xi32>
        %parallel_loop3A_171 = arith.andi %parallel_loop3A_162, %parallel_loop3A_170 : vector<16xi32>
        %parallel_loop3A_172 = arith.constant 1065353216 : i32
        %parallel_loop3A_173 = vector.broadcast %parallel_loop3A_172 : i32 to vector<16xi32>
        %parallel_loop3A_174 = arith.ori %parallel_loop3A_171, %parallel_loop3A_173 : vector<16xi32>
        %parallel_loop3A_175 = vector.bitcast %parallel_loop3A_174 : vector<16xi32> to vector<16xf32>
        %parallel_loop3A_176 = arith.constant 1.41421354 : f32
        %parallel_loop3A_177 = vector.broadcast %parallel_loop3A_176 : f32 to vector<16xf32>
        %parallel_loop3A_178 = arith.cmpf ogt, %parallel_loop3A_175, %parallel_loop3A_177 : vector<16xf32>
        %parallel_loop3A_179 = arith.constant 5.000000e-01 : f32
        %parallel_loop3A_180 = vector.broadcast %parallel_loop3A_179 : f32 to vector<16xf32>
        %parallel_loop3A_181 = arith.mulf %parallel_loop3A_175, %parallel_loop3A_180 : vector<16xf32>
        %parallel_loop3A_182 = arith.select %parallel_loop3A_178, %parallel_loop3A_181, %parallel_loop3A_175 : vector<16xi1>, vector<16xf32>
        %parallel_loop3A_183 = arith.constant 1 : i32
        %parallel_loop3A_184 = arith.constant 0 : i32
        %parallel_loop3A_185 = vector.broadcast %parallel_loop3A_183 : i32 to vector<16xi32>
        %parallel_loop3A_186 = vector.broadcast %parallel_loop3A_184 : i32 to vector<16xi32>
        %parallel_loop3A_187 = arith.select %parallel_loop3A_178, %parallel_loop3A_185, %parallel_loop3A_186 : vector<16xi1>, vector<16xi32>
        %parallel_loop3A_188 = arith.addi %parallel_loop3A_168, %parallel_loop3A_187 : vector<16xi32>
        %parallel_loop3A_189 = arith.constant 1.000000e+00 : f32
        %parallel_loop3A_190 = vector.broadcast %parallel_loop3A_189 : f32 to vector<16xf32>
        %parallel_loop3A_191 = arith.subf %parallel_loop3A_182, %parallel_loop3A_190 : vector<16xf32>
        %parallel_loop3A_192 = arith.constant 2.000000e+00 : f32
        %parallel_loop3A_193 = vector.broadcast %parallel_loop3A_192 : f32 to vector<16xf32>
        %parallel_loop3A_194 = arith.addf %parallel_loop3A_193, %parallel_loop3A_191 : vector<16xf32>
        %parallel_loop3A_195 = arith.divf %parallel_loop3A_191, %parallel_loop3A_194 : vector<16xf32>
        %parallel_loop3A_196 = arith.mulf %parallel_loop3A_195, %parallel_loop3A_195 : vector<16xf32>
        %parallel_loop3A_197 = arith.constant 0.142857149 : f32
        %parallel_loop3A_198 = vector.broadcast %parallel_loop3A_197 : f32 to vector<16xf32>
        %parallel_loop3A_199 = arith.mulf %parallel_loop3A_196, %parallel_loop3A_198 : vector<16xf32>
        %parallel_loop3A_200 = arith.constant 2.000000e-01 : f32
        %parallel_loop3A_201 = vector.broadcast %parallel_loop3A_200 : f32 to vector<16xf32>
        %parallel_loop3A_202 = arith.addf %parallel_loop3A_201, %parallel_loop3A_199 : vector<16xf32>
        %parallel_loop3A_203 = arith.mulf %parallel_loop3A_196, %parallel_loop3A_202 : vector<16xf32>
        %parallel_loop3A_204 = arith.constant 0.333333343 : f32
        %parallel_loop3A_205 = vector.broadcast %parallel_loop3A_204 : f32 to vector<16xf32>
        %parallel_loop3A_206 = arith.addf %parallel_loop3A_205, %parallel_loop3A_203 : vector<16xf32>
        %parallel_loop3A_207 = arith.sitofp %parallel_loop3A_188 : vector<16xi32> to vector<16xf32>
        %parallel_loop3A_208 = arith.constant 0.693147182 : f32
        %parallel_loop3A_209 = vector.broadcast %parallel_loop3A_208 : f32 to vector<16xf32>
        %parallel_loop3A_210 = arith.mulf %parallel_loop3A_207, %parallel_loop3A_209 : vector<16xf32>
        %parallel_loop3A_211 = arith.constant 2.000000e+00 : f32
        %parallel_loop3A_212 = vector.broadcast %parallel_loop3A_211 : f32 to vector<16xf32>
        %parallel_loop3A_213 = arith.mulf %parallel_loop3A_212, %parallel_loop3A_195 : vector<16xf32>
        %parallel_loop3A_214 = arith.constant 2.000000e+00 : f32
        %parallel_loop3A_215 = vector.broadcast %parallel_loop3A_214 : f32 to vector<16xf32>
        %parallel_loop3A_216 = arith.mulf %parallel_loop3A_215, %parallel_loop3A_195 : vector<16xf32>
        %parallel_loop3A_217 = arith.mulf %parallel_loop3A_196, %parallel_loop3A_206 : vector<16xf32>
        %parallel_loop3A_218 = arith.mulf %parallel_loop3A_216, %parallel_loop3A_217 : vector<16xf32>
        %parallel_loop3A_219 = arith.addf %parallel_loop3A_213, %parallel_loop3A_218 : vector<16xf32>
        %parallel_loop3A_220 = arith.addf %parallel_loop3A_210, %parallel_loop3A_219 : vector<16xf32>
        %parallel_loop3A_221 = arith.constant 16 : i32
        %parallel_loop3A_222 = arith.addi %parallel_loop3A_155, %parallel_loop3A_221 : i32
        %parallel_loop3A_223 = arith.index_cast %parallel_loop3A_222 : i32 to index
        %parallel_loop3A_224 = tpu.vector_load %arg5[%parallel_loop3A_223] {strides = array<i32>} : memref<1089xf32, #tpu.memory_space<vmem>>, vector<16xf32>,
        tpu.vector_store %arg5[%parallel_loop3A_223], %parallel_loop3A_220 {strides = array<i32>} : memref<1089xf32, #tpu.memory_space<vmem>>, vector<16xf32>,
        %parallel_loop3A_225 = arith.constant 1 : i32
        %parallel_loop3A_226 = vector.broadcast %parallel_loop3A_225 : i32 to vector<16xi32>
        %parallel_loop3A_227 = arith.cmpi sge, %iota3A, %parallel_loop3A_226 : vector<16xi32>
        %parallel_loop3A_228 = vector.shape_cast %max3A_17 : vector<16xi32> to vector<16x1xi32>
        %parallel_loop3A_229 = vector.shape_cast %parallel_loop3A_228 : vector<16x1xi32> to vector<16xi32>
        %parallel_loop3A_230 = tpu.dynamic_gather %parallel_loop3A_151[%parallel_loop3A_229] in [0] : vector<16xf32>, vector<16xi32> -> vector<16xf32>
        %parallel_loop3A_231 = vector.shape_cast %broadcast_in_dim3A_13 : vector<16xi32> to vector<16x1xi32>
        %parallel_loop3A_232 = vector.shape_cast %parallel_loop3A_231 : vector<16x1xi32> to vector<16xi32>
        %parallel_loop3A_233 = tpu.dynamic_gather %parallel_loop3A_150[%parallel_loop3A_232] in [0] : vector<16xf32>, vector<16xi32> -> vector<16xf32>
        %parallel_loop3A_234 = arith.select %parallel_loop3A_227, %parallel_loop3A_230, %parallel_loop3A_233 : vector<16xi1>, vector<16xf32>
        %parallel_loop3A_235 = arith.constant 2 : i32
        %parallel_loop3A_236 = vector.broadcast %parallel_loop3A_235 : i32 to vector<16xi32>
        %parallel_loop3A_237 = arith.cmpi sge, %iota3A, %parallel_loop3A_236 : vector<16xi32>
        %parallel_loop3A_238 = vector.shape_cast %max3A_23 : vector<16xi32> to vector<16x1xi32>
        %parallel_loop3A_239 = vector.shape_cast %parallel_loop3A_238 : vector<16x1xi32> to vector<16xi32>
        %parallel_loop3A_240 = tpu.dynamic_gather %parallel_loop3A_151[%parallel_loop3A_239] in [0] : vector<16xf32>, vector<16xi32> -> vector<16xf32>
        %parallel_loop3A_241 = vector.shape_cast %min3A_33 : vector<16xi32> to vector<16x1xi32>
        %parallel_loop3A_242 = vector.shape_cast %parallel_loop3A_241 : vector<16x1xi32> to vector<16xi32>
        %parallel_loop3A_243 = tpu.dynamic_gather %parallel_loop3A_150[%parallel_loop3A_242] in [0] : vector<16xf32>, vector<16xi32> -> vector<16xf32>
        %parallel_loop3A_244 = arith.select %parallel_loop3A_237, %parallel_loop3A_240, %parallel_loop3A_243 : vector<16xi1>, vector<16xf32>
        %parallel_loop3A_245 = arith.constant 14 : i32
        %parallel_loop3A_246 = vector.broadcast %parallel_loop3A_245 : i32 to vector<16xi32>
        %parallel_loop3A_247 = arith.cmpi sle, %iota3A, %parallel_loop3A_246 : vector<16xi32>
        %parallel_loop3A_248 = vector.shape_cast %min3A_27 : vector<16xi32> to vector<16x1xi32>
        %parallel_loop3A_249 = vector.shape_cast %parallel_loop3A_248 : vector<16x1xi32> to vector<16xi32>
        %parallel_loop3A_250 = tpu.dynamic_gather %parallel_loop3A_151[%parallel_loop3A_249] in [0] : vector<16xf32>, vector<16xi32> -> vector<16xf32>
        %parallel_loop3A_251 = vector.shape_cast %broadcast_in_dim3A_11 : vector<16xi32> to vector<16x1xi32>
        %parallel_loop3A_252 = vector.shape_cast %parallel_loop3A_251 : vector<16x1xi32> to vector<16xi32>
        %parallel_loop3A_253 = tpu.dynamic_gather %parallel_loop3A_220[%parallel_loop3A_252] in [0] : vector<16xf32>, vector<16xi32> -> vector<16xf32>
        %parallel_loop3A_254 = arith.select %parallel_loop3A_247, %parallel_loop3A_250, %parallel_loop3A_253 : vector<16xi1>, vector<16xf32>
        %parallel_loop3A_255 = arith.constant 16 : i32
        %parallel_loop3A_256 = arith.muli %parallel_loop3A_146, %parallel_loop3A_255 : i32
        %parallel_loop3A_257 = vector.broadcast %parallel_loop3A_256 : i32 to vector<16xi32>
        %parallel_loop3A_258 = arith.addi %iota3A, %parallel_loop3A_257 : vector<16xi32>
        %parallel_loop3A_259 = arith.constant 1 : i32
        %parallel_loop3A_260 = vector.broadcast %parallel_loop3A_259 : i32 to vector<16xi32>
        %parallel_loop3A_261 = arith.subi %parallel_loop3A_258, %parallel_loop3A_260 : vector<16xi32>
        %parallel_loop3A_262 = arith.subf %parallel_loop3A_151, %parallel_loop3A_244 : vector<16xf32>
        %parallel_loop3A_263 = arith.constant 0.732935607 : f32
        %parallel_loop3A_264 = vector.broadcast %parallel_loop3A_263 : f32 to vector<16xf32>
        %parallel_loop3A_265 = arith.mulf %parallel_loop3A_264, %parallel_loop3A_262 : vector<16xf32>
        %parallel_loop3A_266 = arith.sitofp %parallel_loop3A_261 : vector<16xi32> to vector<16xf32>
        %parallel_loop3A_267 = arith.constant 1.57079637 : f32
        %parallel_loop3A_268 = vector.broadcast %parallel_loop3A_267 : f32 to vector<16xf32>
        %parallel_loop3A_269 = arith.mulf %parallel_loop3A_268, %parallel_loop3A_266 : vector<16xf32>
        %parallel_loop3A_270 = arith.addf %parallel_loop3A_265, %parallel_loop3A_269 : vector<16xf32>
        %parallel_loop3A_271 = arith.constant 1 : i32
        %parallel_loop3A_272 = vector.broadcast %parallel_loop3A_271 : i32 to vector<16xi32>
        %parallel_loop3A_273 = arith.cmpi sge, %parallel_loop3A_261, %parallel_loop3A_272 : vector<16xi32>
        %parallel_loop3A_274 = arith.constant 1023 : i32
        %parallel_loop3A_275 = vector.broadcast %parallel_loop3A_274 : i32 to vector<16xi32>
        %parallel_loop3A_276 = arith.cmpi sle, %parallel_loop3A_261, %parallel_loop3A_275 : vector<16xi32>
        %parallel_loop3A_277 = arith.andi %parallel_loop3A_273, %parallel_loop3A_276 : vector<16xi1>
        %parallel_loop3A_278 = arith.constant 0.000000e+00 : f32
        %parallel_loop3A_279 = vector.broadcast %parallel_loop3A_278 : f32 to vector<16xf32>
        %parallel_loop3A_280 = arith.select %parallel_loop3A_277, %parallel_loop3A_270, %parallel_loop3A_279 : vector<16xi1>, vector<16xf32>
        %parallel_loop3A_281 = arith.subf %parallel_loop3A_254, %parallel_loop3A_234 : vector<16xf32>
        %parallel_loop3A_282 = arith.constant 0.732935607 : f32
        %parallel_loop3A_283 = vector.broadcast %parallel_loop3A_282 : f32 to vector<16xf32>
        %parallel_loop3A_284 = arith.mulf %parallel_loop3A_283, %parallel_loop3A_281 : vector<16xf32>
        %parallel_loop3A_285 = arith.sitofp %parallel_loop3A_258 : vector<16xi32> to vector<16xf32>
        %parallel_loop3A_286 = arith.constant 1.57079637 : f32
        %parallel_loop3A_287 = vector.broadcast %parallel_loop3A_286 : f32 to vector<16xf32>
        %parallel_loop3A_288 = arith.mulf %parallel_loop3A_287, %parallel_loop3A_285 : vector<16xf32>
        %parallel_loop3A_289 = arith.addf %parallel_loop3A_284, %parallel_loop3A_288 : vector<16xf32>
        %parallel_loop3A_290 = arith.constant 1 : i32
        %parallel_loop3A_291 = vector.broadcast %parallel_loop3A_290 : i32 to vector<16xi32>
        %parallel_loop3A_292 = arith.cmpi sge, %parallel_loop3A_258, %parallel_loop3A_291 : vector<16xi32>
        %parallel_loop3A_293 = arith.constant 1023 : i32
        %parallel_loop3A_294 = vector.broadcast %parallel_loop3A_293 : i32 to vector<16xi32>
        %parallel_loop3A_295 = arith.cmpi sle, %parallel_loop3A_258, %parallel_loop3A_294 : vector<16xi32>
        %parallel_loop3A_296 = arith.andi %parallel_loop3A_292, %parallel_loop3A_295 : vector<16xi1>
        %parallel_loop3A_297 = arith.constant 0.000000e+00 : f32
        %parallel_loop3A_298 = vector.broadcast %parallel_loop3A_297 : f32 to vector<16xf32>
        %parallel_loop3A_299 = arith.select %parallel_loop3A_296, %parallel_loop3A_289, %parallel_loop3A_298 : vector<16xi1>, vector<16xf32>
        %parallel_loop3A_300 = arith.constant 1 : i32
        %parallel_loop3A_301 = vector.broadcast %parallel_loop3A_300 : i32 to vector<16xi32>
        %parallel_loop3A_302 = arith.cmpi sge, %parallel_loop3A_258, %parallel_loop3A_301 : vector<16xi32>
        %parallel_loop3A_303 = arith.addf %parallel_loop3A_280, %parallel_loop3A_299 : vector<16xf32>
        %parallel_loop3A_304 = arith.constant 5.000000e-01 : f32
        %parallel_loop3A_305 = vector.broadcast %parallel_loop3A_304 : f32 to vector<16xf32>
        %parallel_loop3A_306 = arith.mulf %parallel_loop3A_305, %parallel_loop3A_303 : vector<16xf32>
        %parallel_loop3A_307 = arith.constant 0.000000e+00 : f32
        %parallel_loop3A_308 = vector.broadcast %parallel_loop3A_307 : f32 to vector<16xf32>
        %parallel_loop3A_309 = arith.select %parallel_loop3A_302, %parallel_loop3A_306, %parallel_loop3A_308 : vector<16xi1>, vector<16xf32>
        %parallel_loop3A_310 = arith.constant true
        %parallel_loop3A_311 = vector.broadcast %parallel_loop3A_310 : i1 to vector<16xi1>
        %parallel_loop3A_312 = tpu.scan <sum>, %parallel_loop3A_309 masked %parallel_loop3A_311 : vector<16xf32>, vector<16xi1> -> vector<16xf32>
        %parallel_loop3A_313 = arith.addf %parallel_loop3A_312, %parallel_loop3A_147 : vector<16xf32>
        %parallel_loop3A_314 = arith.constant 16 : i32
        %parallel_loop3A_315 = arith.muli %parallel_loop3A_146, %parallel_loop3A_314 : i32
        %parallel_loop3A_316 = arith.index_cast %parallel_loop3A_315 : i32 to index
        %parallel_loop3A_317 = tpu.vector_load %arg6[%parallel_loop3A_316] {strides = array<i32>} : memref<1040xf32, #tpu.memory_space<vmem>>, vector<16xf32>,
        tpu.vector_store %arg6[%parallel_loop3A_316], %parallel_loop3A_313 {strides = array<i32>} : memref<1040xf32, #tpu.memory_space<vmem>>, vector<16xf32>,
        %parallel_loop3A_318 = arith.constant 1.000000e-10 : f32
        %parallel_loop3A_319 = vector.broadcast %parallel_loop3A_318 : f32 to vector<16xf32>
        %parallel_loop3A_320 = arith.cmpf ogt, %parallel_loop3A_151, %parallel_loop3A_319 : vector<16xf32>
        %parallel_loop3A_321 = arith.constant -3.400000e+38 : f32
        %parallel_loop3A_322 = vector.broadcast %parallel_loop3A_321 : f32 to vector<16xf32>
        %parallel_loop3A_323 = arith.select %parallel_loop3A_320, %parallel_loop3A_151, %parallel_loop3A_322 : vector<16xi1>, vector<16xf32>
        %parallel_loop3A_324 = arith.constant dense<true> : vector<16xi1>
        %parallel_loop3A_325 = arith.xori %parallel_loop3A_320, %parallel_loop3A_324 : vector<16xi1>
        %parallel_loop3A_326 = arith.constant 1.000000e-10 : f32
        %parallel_loop3A_327 = vector.broadcast %parallel_loop3A_326 : f32 to vector<16xf32>
        %parallel_loop3A_328 = arith.cmpf ole, %parallel_loop3A_234, %parallel_loop3A_327 : vector<16xf32>
        %parallel_loop3A_329 = arith.ori %parallel_loop3A_325, %parallel_loop3A_328 : vector<16xi1>
        %parallel_loop3A_330 = arith.extui %parallel_loop3A_329 : vector<16xi1> to vector<16xi32>
        %parallel_loop3A_331 = vector.shape_cast %max3A_39 : vector<16xi32> to vector<16x1xi32>
        %parallel_loop3A_332 = vector.shape_cast %parallel_loop3A_331 : vector<16x1xi32> to vector<16xi32>
        %parallel_loop3A_333 = tpu.dynamic_gather %parallel_loop3A_323[%parallel_loop3A_332] in [0] : vector<16xf32>, vector<16xi32> -> vector<16xf32>
        %parallel_loop3A_334 = arith.constant -3.400000e+38 : f32
        %parallel_loop3A_335 = vector.broadcast %parallel_loop3A_334 : f32 to vector<16xf32>
        %parallel_loop3A_336 = arith.select %ge3A_59, %parallel_loop3A_333, %parallel_loop3A_335 : vector<16xi1>, vector<16xf32>
        %parallel_loop3A_337 = vector.shape_cast %max3A_39 : vector<16xi32> to vector<16x1xi32>
        %parallel_loop3A_338 = vector.shape_cast %parallel_loop3A_337 : vector<16x1xi32> to vector<16xi32>
        %parallel_loop3A_339 = tpu.dynamic_gather %parallel_loop3A_258[%parallel_loop3A_338] in [0] : vector<16xi32>, vector<16xi32> -> vector<16xi32>
        %parallel_loop3A_340 = vector.shape_cast %max3A_39 : vector<16xi32> to vector<16x1xi32>
        %parallel_loop3A_341 = vector.shape_cast %parallel_loop3A_340 : vector<16x1xi32> to vector<16xi32>
        %parallel_loop3A_342 = tpu.dynamic_gather %parallel_loop3A_330[%parallel_loop3A_341] in [0] : vector<16xi32>, vector<16xi32> -> vector<16xi32>
        %parallel_loop3A_343 = arith.constant 0 : i32
        %parallel_loop3A_344 = vector.broadcast %parallel_loop3A_343 : i32 to vector<16xi32>
        %parallel_loop3A_345 = arith.select %ge3A_59, %parallel_loop3A_342, %parallel_loop3A_344 : vector<16xi1>, vector<16xi32>
        %parallel_loop3A_346 = arith.constant 0 : i32
        %parallel_loop3A_347 = vector.broadcast %parallel_loop3A_346 : i32 to vector<16xi32>
        %parallel_loop3A_348 = arith.cmpi eq, %parallel_loop3A_330, %parallel_loop3A_347 : vector<16xi32>
        %parallel_loop3A_349 = arith.cmpf ogt, %parallel_loop3A_336, %parallel_loop3A_323 : vector<16xf32>
        %parallel_loop3A_350 = arith.cmpf oeq, %parallel_loop3A_336, %parallel_loop3A_323 : vector<16xf32>
        %parallel_loop3A_351 = arith.cmpi slt, %parallel_loop3A_339, %parallel_loop3A_258 : vector<16xi32>
        %parallel_loop3A_352 = arith.andi %parallel_loop3A_350, %parallel_loop3A_351 : vector<16xi1>
        %parallel_loop3A_353 = arith.ori %parallel_loop3A_349, %parallel_loop3A_352 : vector<16xi1>
        %parallel_loop3A_354 = arith.andi %parallel_loop3A_348, %parallel_loop3A_353 : vector<16xi1>
        %parallel_loop3A_355 = arith.select %parallel_loop3A_354, %parallel_loop3A_336, %parallel_loop3A_323 : vector<16xi1>, vector<16xf32>
        %parallel_loop3A_356 = arith.select %parallel_loop3A_354, %parallel_loop3A_339, %parallel_loop3A_258 : vector<16xi1>, vector<16xi32>
        %parallel_loop3A_357 = arith.ori %parallel_loop3A_330, %parallel_loop3A_345 : vector<16xi32>
        %parallel_loop3A_358 = vector.shape_cast %max3A_45 : vector<16xi32> to vector<16x1xi32>
        %parallel_loop3A_359 = vector.shape_cast %parallel_loop3A_358 : vector<16x1xi32> to vector<16xi32>
        %parallel_loop3A_360 = tpu.dynamic_gather %parallel_loop3A_355[%parallel_loop3A_359] in [0] : vector<16xf32>, vector<16xi32> -> vector<16xf32>
        %parallel_loop3A_361 = arith.constant -3.400000e+38 : f32
        %parallel_loop3A_362 = vector.broadcast %parallel_loop3A_361 : f32 to vector<16xf32>
        %parallel_loop3A_363 = arith.select %ge3A_62, %parallel_loop3A_360, %parallel_loop3A_362 : vector<16xi1>, vector<16xf32>
        %parallel_loop3A_364 = vector.shape_cast %max3A_45 : vector<16xi32> to vector<16x1xi32>
        %parallel_loop3A_365 = vector.shape_cast %parallel_loop3A_364 : vector<16x1xi32> to vector<16xi32>
        %parallel_loop3A_366 = tpu.dynamic_gather %parallel_loop3A_356[%parallel_loop3A_365] in [0] : vector<16xi32>, vector<16xi32> -> vector<16xi32>
        %parallel_loop3A_367 = vector.shape_cast %max3A_45 : vector<16xi32> to vector<16x1xi32>
        %parallel_loop3A_368 = vector.shape_cast %parallel_loop3A_367 : vector<16x1xi32> to vector<16xi32>
        %parallel_loop3A_369 = tpu.dynamic_gather %parallel_loop3A_357[%parallel_loop3A_368] in [0] : vector<16xi32>, vector<16xi32> -> vector<16xi32>
        %parallel_loop3A_370 = arith.constant 0 : i32
        %parallel_loop3A_371 = vector.broadcast %parallel_loop3A_370 : i32 to vector<16xi32>
        %parallel_loop3A_372 = arith.select %ge3A_62, %parallel_loop3A_369, %parallel_loop3A_371 : vector<16xi1>, vector<16xi32>
        %parallel_loop3A_373 = arith.constant 0 : i32
        %parallel_loop3A_374 = vector.broadcast %parallel_loop3A_373 : i32 to vector<16xi32>
        %parallel_loop3A_375 = arith.cmpi eq, %parallel_loop3A_357, %parallel_loop3A_374 : vector<16xi32>
        %parallel_loop3A_376 = arith.cmpf ogt, %parallel_loop3A_363, %parallel_loop3A_355 : vector<16xf32>
        %parallel_loop3A_377 = arith.cmpf oeq, %parallel_loop3A_363, %parallel_loop3A_355 : vector<16xf32>
        %parallel_loop3A_378 = arith.cmpi slt, %parallel_loop3A_366, %parallel_loop3A_356 : vector<16xi32>
        %parallel_loop3A_379 = arith.andi %parallel_loop3A_377, %parallel_loop3A_378 : vector<16xi1>
        %parallel_loop3A_380 = arith.ori %parallel_loop3A_376, %parallel_loop3A_379 : vector<16xi1>
        %parallel_loop3A_381 = arith.andi %parallel_loop3A_375, %parallel_loop3A_380 : vector<16xi1>
        %parallel_loop3A_382 = arith.select %parallel_loop3A_381, %parallel_loop3A_363, %parallel_loop3A_355 : vector<16xi1>, vector<16xf32>
        %parallel_loop3A_383 = arith.select %parallel_loop3A_381, %parallel_loop3A_366, %parallel_loop3A_356 : vector<16xi1>, vector<16xi32>
        %parallel_loop3A_384 = arith.ori %parallel_loop3A_357, %parallel_loop3A_372 : vector<16xi32>
        %parallel_loop3A_385 = vector.shape_cast %max3A_51 : vector<16xi32> to vector<16x1xi32>
        %parallel_loop3A_386 = vector.shape_cast %parallel_loop3A_385 : vector<16x1xi32> to vector<16xi32>
        %parallel_loop3A_387 = tpu.dynamic_gather %parallel_loop3A_382[%parallel_loop3A_386] in [0] : vector<16xf32>, vector<16xi32> -> vector<16xf32>
        %parallel_loop3A_388 = arith.constant -3.400000e+38 : f32
        %parallel_loop3A_389 = vector.broadcast %parallel_loop3A_388 : f32 to vector<16xf32>
        %parallel_loop3A_390 = arith.select %ge3A_65, %parallel_loop3A_387, %parallel_loop3A_389 : vector<16xi1>, vector<16xf32>
        %parallel_loop3A_391 = vector.shape_cast %max3A_51 : vector<16xi32> to vector<16x1xi32>
        %parallel_loop3A_392 = vector.shape_cast %parallel_loop3A_391 : vector<16x1xi32> to vector<16xi32>
        %parallel_loop3A_393 = tpu.dynamic_gather %parallel_loop3A_383[%parallel_loop3A_392] in [0] : vector<16xi32>, vector<16xi32> -> vector<16xi32>
        %parallel_loop3A_394 = vector.shape_cast %max3A_51 : vector<16xi32> to vector<16x1xi32>
        %parallel_loop3A_395 = vector.shape_cast %parallel_loop3A_394 : vector<16x1xi32> to vector<16xi32>
        %parallel_loop3A_396 = tpu.dynamic_gather %parallel_loop3A_384[%parallel_loop3A_395] in [0] : vector<16xi32>, vector<16xi32> -> vector<16xi32>
        %parallel_loop3A_397 = arith.constant 0 : i32
        %parallel_loop3A_398 = vector.broadcast %parallel_loop3A_397 : i32 to vector<16xi32>
        %parallel_loop3A_399 = arith.select %ge3A_65, %parallel_loop3A_396, %parallel_loop3A_398 : vector<16xi1>, vector<16xi32>
        %parallel_loop3A_400 = arith.constant 0 : i32
        %parallel_loop3A_401 = vector.broadcast %parallel_loop3A_400 : i32 to vector<16xi32>
        %parallel_loop3A_402 = arith.cmpi eq, %parallel_loop3A_384, %parallel_loop3A_401 : vector<16xi32>
        %parallel_loop3A_403 = arith.cmpf ogt, %parallel_loop3A_390, %parallel_loop3A_382 : vector<16xf32>
        %parallel_loop3A_404 = arith.cmpf oeq, %parallel_loop3A_390, %parallel_loop3A_382 : vector<16xf32>
        %parallel_loop3A_405 = arith.cmpi slt, %parallel_loop3A_393, %parallel_loop3A_383 : vector<16xi32>
        %parallel_loop3A_406 = arith.andi %parallel_loop3A_404, %parallel_loop3A_405 : vector<16xi1>
        %parallel_loop3A_407 = arith.ori %parallel_loop3A_403, %parallel_loop3A_406 : vector<16xi1>
        %parallel_loop3A_408 = arith.andi %parallel_loop3A_402, %parallel_loop3A_407 : vector<16xi1>
        %parallel_loop3A_409 = arith.select %parallel_loop3A_408, %parallel_loop3A_390, %parallel_loop3A_382 : vector<16xi1>, vector<16xf32>
        %parallel_loop3A_410 = arith.select %parallel_loop3A_408, %parallel_loop3A_393, %parallel_loop3A_383 : vector<16xi1>, vector<16xi32>
        %parallel_loop3A_411 = arith.ori %parallel_loop3A_384, %parallel_loop3A_399 : vector<16xi32>
        %parallel_loop3A_412 = vector.shape_cast %max3A_57 : vector<16xi32> to vector<16x1xi32>
        %parallel_loop3A_413 = vector.shape_cast %parallel_loop3A_412 : vector<16x1xi32> to vector<16xi32>
        %parallel_loop3A_414 = tpu.dynamic_gather %parallel_loop3A_409[%parallel_loop3A_413] in [0] : vector<16xf32>, vector<16xi32> -> vector<16xf32>
        %parallel_loop3A_415 = arith.constant -3.400000e+38 : f32
        %parallel_loop3A_416 = vector.broadcast %parallel_loop3A_415 : f32 to vector<16xf32>
        %parallel_loop3A_417 = arith.select %ge3A_68, %parallel_loop3A_414, %parallel_loop3A_416 : vector<16xi1>, vector<16xf32>
        %parallel_loop3A_418 = vector.shape_cast %max3A_57 : vector<16xi32> to vector<16x1xi32>
        %parallel_loop3A_419 = vector.shape_cast %parallel_loop3A_418 : vector<16x1xi32> to vector<16xi32>
        %parallel_loop3A_420 = tpu.dynamic_gather %parallel_loop3A_410[%parallel_loop3A_419] in [0] : vector<16xi32>, vector<16xi32> -> vector<16xi32>
        %parallel_loop3A_421 = vector.shape_cast %max3A_57 : vector<16xi32> to vector<16x1xi32>
        %parallel_loop3A_422 = vector.shape_cast %parallel_loop3A_421 : vector<16x1xi32> to vector<16xi32>
        %parallel_loop3A_423 = tpu.dynamic_gather %parallel_loop3A_411[%parallel_loop3A_422] in [0] : vector<16xi32>, vector<16xi32> -> vector<16xi32>
        %parallel_loop3A_424 = arith.constant 0 : i32
        %parallel_loop3A_425 = vector.broadcast %parallel_loop3A_424 : i32 to vector<16xi32>
        %parallel_loop3A_426 = arith.select %ge3A_68, %parallel_loop3A_423, %parallel_loop3A_425 : vector<16xi1>, vector<16xi32>
        %parallel_loop3A_427 = arith.constant 0 : i32
        %parallel_loop3A_428 = vector.broadcast %parallel_loop3A_427 : i32 to vector<16xi32>
        %parallel_loop3A_429 = arith.cmpi eq, %parallel_loop3A_411, %parallel_loop3A_428 : vector<16xi32>
        %parallel_loop3A_430 = arith.cmpf ogt, %parallel_loop3A_417, %parallel_loop3A_409 : vector<16xf32>
        %parallel_loop3A_431 = arith.cmpf oeq, %parallel_loop3A_417, %parallel_loop3A_409 : vector<16xf32>
        %parallel_loop3A_432 = arith.cmpi slt, %parallel_loop3A_420, %parallel_loop3A_410 : vector<16xi32>
        %parallel_loop3A_433 = arith.andi %parallel_loop3A_431, %parallel_loop3A_432 : vector<16xi1>
        %parallel_loop3A_434 = arith.ori %parallel_loop3A_430, %parallel_loop3A_433 : vector<16xi1>
        %parallel_loop3A_435 = arith.andi %parallel_loop3A_429, %parallel_loop3A_434 : vector<16xi1>
        %parallel_loop3A_436 = arith.select %parallel_loop3A_435, %parallel_loop3A_417, %parallel_loop3A_409 : vector<16xi1>, vector<16xf32>
        %parallel_loop3A_437 = arith.select %parallel_loop3A_435, %parallel_loop3A_420, %parallel_loop3A_410 : vector<16xi1>, vector<16xi32>
        %parallel_loop3A_438 = arith.ori %parallel_loop3A_411, %parallel_loop3A_426 : vector<16xi32>
        %parallel_loop3A_439 = arith.constant 0 : i32
        %parallel_loop3A_440 = vector.broadcast %parallel_loop3A_439 : i32 to vector<16xi32>
        %parallel_loop3A_441 = arith.cmpi eq, %parallel_loop3A_438, %parallel_loop3A_440 : vector<16xi32>
        %parallel_loop3A_442 = arith.cmpf ogt, %parallel_loop3A_148, %parallel_loop3A_436 : vector<16xf32>
        %parallel_loop3A_443 = arith.cmpf oeq, %parallel_loop3A_148, %parallel_loop3A_436 : vector<16xf32>
        %parallel_loop3A_444 = arith.cmpi slt, %parallel_loop3A_149, %parallel_loop3A_437 : vector<16xi32>
        %parallel_loop3A_445 = arith.andi %parallel_loop3A_443, %parallel_loop3A_444 : vector<16xi1>
        %parallel_loop3A_446 = arith.ori %parallel_loop3A_442, %parallel_loop3A_445 : vector<16xi1>
        %parallel_loop3A_447 = arith.andi %parallel_loop3A_441, %parallel_loop3A_446 : vector<16xi1>
        %parallel_loop3A_448 = arith.select %parallel_loop3A_447, %parallel_loop3A_148, %parallel_loop3A_436 : vector<16xi1>, vector<16xf32>
        %parallel_loop3A_449 = arith.select %parallel_loop3A_447, %parallel_loop3A_149, %parallel_loop3A_437 : vector<16xi1>, vector<16xi32>
        %parallel_loop3A_450 = arith.constant 16 : i32
        %parallel_loop3A_451 = arith.muli %parallel_loop3A_146, %parallel_loop3A_450 : i32
        %parallel_loop3A_452 = arith.index_cast %parallel_loop3A_451 : i32 to index
        %parallel_loop3A_453 = tpu.vector_load %arg7[%parallel_loop3A_452] {strides = array<i32>} : memref<1040xf32, #tpu.memory_space<vmem>>, vector<16xf32>,
        tpu.vector_store %arg7[%parallel_loop3A_452], %parallel_loop3A_448 {strides = array<i32>} : memref<1040xf32, #tpu.memory_space<vmem>>, vector<16xf32>,
        %parallel_loop3A_454 = arith.constant 16 : i32
        %parallel_loop3A_455 = arith.muli %parallel_loop3A_146, %parallel_loop3A_454 : i32
        %parallel_loop3A_456 = arith.index_cast %parallel_loop3A_455 : i32 to index
        %parallel_loop3A_457 = tpu.vector_load %arg8[%parallel_loop3A_456] {strides = array<i32>} : memref<1040xi32, #tpu.memory_space<vmem>>, vector<16xi32>,
        tpu.vector_store %arg8[%parallel_loop3A_456], %parallel_loop3A_449 {strides = array<i32>} : memref<1040xi32, #tpu.memory_space<vmem>>, vector<16xi32>,
        %parallel_loop3A_458 = vector.shape_cast %broadcast_in_dim3A_13 : vector<16xi32> to vector<16x1xi32>
        %parallel_loop3A_459 = vector.shape_cast %parallel_loop3A_458 : vector<16x1xi32> to vector<16xi32>
        %parallel_loop3A_460 = tpu.dynamic_gather %parallel_loop3A_313[%parallel_loop3A_459] in [0] : vector<16xf32>, vector<16xi32> -> vector<16xf32>
        %parallel_loop3A_461 = vector.shape_cast %broadcast_in_dim3A_13 : vector<16xi32> to vector<16x1xi32>
        %parallel_loop3A_462 = vector.shape_cast %parallel_loop3A_461 : vector<16x1xi32> to vector<16xi32>
        %parallel_loop3A_463 = tpu.dynamic_gather %parallel_loop3A_448[%parallel_loop3A_462] in [0] : vector<16xf32>, vector<16xi32> -> vector<16xf32>
        %parallel_loop3A_464 = vector.shape_cast %broadcast_in_dim3A_13 : vector<16xi32> to vector<16x1xi32>
        %parallel_loop3A_465 = vector.shape_cast %parallel_loop3A_464 : vector<16x1xi32> to vector<16xi32>
        %parallel_loop3A_466 = tpu.dynamic_gather %parallel_loop3A_449[%parallel_loop3A_465] in [0] : vector<16xi32>, vector<16xi32> -> vector<16xi32>
        scf.yield %parallel_loop3A_460, %parallel_loop3A_463, %parallel_loop3A_466, %parallel_loop3A_151, %parallel_loop3A_220 : vector<16xf32>, vector<16xf32>, vector<16xi32>, vector<16xf32>, vector<16xf32>
      } {sc.loop_unroll_factor = 2 : i64, sc.parallel_access}
      %broadcast_in_dim3A_138 = arith.constant -3.400000e+38 : f32
      %broadcast_in_dim3A_139 = vector.broadcast %broadcast_in_dim3A_138 : f32 to vector<16xf32>
      %broadcast_in_dim3A_140 = arith.constant 0 : i32
      %broadcast_in_dim3A_141 = vector.broadcast %broadcast_in_dim3A_140 : i32 to vector<16xi32>
      %parallel_loop3A_142 = arith.constant 0 : i32
      %parallel_loop3A_143 = arith.constant 65 : i32
      %parallel_loop3A_144 = arith.constant 1 : i32
      %parallel_loop3A_145:2 = scf.for %parallel_loop3A_146 = %parallel_loop3A_142 to %parallel_loop3A_143 step %parallel_loop3A_144 iter_args(%parallel_loop3A_147 = %broadcast_in_dim3A_139, %parallel_loop3A_148 = %broadcast_in_dim3A_141) -> (vector<16xf32>, vector<16xi32>)  : i32 {
        %parallel_loop3A_149 = arith.constant 64 : i32
        %parallel_loop3A_150 = arith.subi %parallel_loop3A_149, %parallel_loop3A_146 : i32
        %parallel_loop3A_151 = arith.constant 16 : i32
        %parallel_loop3A_152 = arith.muli %parallel_loop3A_150, %parallel_loop3A_151 : i32
        %parallel_loop3A_153 = arith.constant 16 : i32
        %parallel_loop3A_154 = arith.addi %parallel_loop3A_153, %parallel_loop3A_152 : i32
        %parallel_loop3A_155 = arith.index_cast %parallel_loop3A_154 : i32 to index
        %parallel_loop3A_156 = tpu.vector_load %arg5[%parallel_loop3A_155] {strides = array<i32>} : memref<1089xf32, #tpu.memory_space<vmem>>, vector<16xf32>,
        %parallel_loop3A_157 = arith.constant 1 : i32
        %parallel_loop3A_158 = arith.addi %parallel_loop3A_154, %parallel_loop3A_157 : i32
        %parallel_loop3A_159 = arith.index_cast %parallel_loop3A_158 : i32 to index
        %parallel_loop3A_160 = tpu.vector_load %arg5[%parallel_loop3A_159] {strides = array<i32>} : memref<1089xf32, #tpu.memory_space<vmem>>, vector<16xf32>,
        %parallel_loop3A_161 = arith.constant 1.000000e-10 : f32
        %parallel_loop3A_162 = vector.broadcast %parallel_loop3A_161 : f32 to vector<16xf32>
        %parallel_loop3A_163 = arith.cmpf ogt, %parallel_loop3A_156, %parallel_loop3A_162 : vector<16xf32>
        %parallel_loop3A_164 = arith.constant 16 : i32
        %parallel_loop3A_165 = arith.muli %parallel_loop3A_150, %parallel_loop3A_164 : i32
        %parallel_loop3A_166 = vector.broadcast %parallel_loop3A_165 : i32 to vector<16xi32>
        %parallel_loop3A_167 = arith.addi %iota3A, %parallel_loop3A_166 : vector<16xi32>
        %parallel_loop3A_168 = arith.constant -3.400000e+38 : f32
        %parallel_loop3A_169 = vector.broadcast %parallel_loop3A_168 : f32 to vector<16xf32>
        %parallel_loop3A_170 = arith.select %parallel_loop3A_163, %parallel_loop3A_156, %parallel_loop3A_169 : vector<16xi1>, vector<16xf32>
        %parallel_loop3A_171 = arith.constant 15 : i32
        %parallel_loop3A_172 = vector.broadcast %parallel_loop3A_171 : i32 to vector<16xi32>
        %parallel_loop3A_173 = tpu.iota {dimensions = array<i32: 0>} : vector<16xi32>
        %parallel_loop3A_174 = arith.subi %parallel_loop3A_172, %parallel_loop3A_173 : vector<16xi32>
        %parallel_loop3A_175 = tpu.dynamic_gather %parallel_loop3A_170[%parallel_loop3A_174] in [0] : vector<16xf32>, vector<16xi32> -> vector<16xf32>
        %parallel_loop3A_176 = arith.constant 15 : i32
        %parallel_loop3A_177 = vector.broadcast %parallel_loop3A_176 : i32 to vector<16xi32>
        %parallel_loop3A_178 = tpu.iota {dimensions = array<i32: 0>} : vector<16xi32>
        %parallel_loop3A_179 = arith.subi %parallel_loop3A_177, %parallel_loop3A_178 : vector<16xi32>
        %parallel_loop3A_180 = tpu.dynamic_gather %parallel_loop3A_167[%parallel_loop3A_179] in [0] : vector<16xi32>, vector<16xi32> -> vector<16xi32>
        %parallel_loop3A_181 = arith.constant dense<true> : vector<16xi1>
        %parallel_loop3A_182 = arith.xori %parallel_loop3A_163, %parallel_loop3A_181 : vector<16xi1>
        %parallel_loop3A_183 = arith.constant 1.000000e-10 : f32
        %parallel_loop3A_184 = vector.broadcast %parallel_loop3A_183 : f32 to vector<16xf32>
        %parallel_loop3A_185 = arith.cmpf ole, %parallel_loop3A_160, %parallel_loop3A_184 : vector<16xf32>
        %parallel_loop3A_186 = arith.ori %parallel_loop3A_182, %parallel_loop3A_185 : vector<16xi1>
        %parallel_loop3A_187 = arith.extui %parallel_loop3A_186 : vector<16xi1> to vector<16xi32>
        %parallel_loop3A_188 = arith.constant 15 : i32
        %parallel_loop3A_189 = vector.broadcast %parallel_loop3A_188 : i32 to vector<16xi32>
        %parallel_loop3A_190 = tpu.iota {dimensions = array<i32: 0>} : vector<16xi32>
        %parallel_loop3A_191 = arith.subi %parallel_loop3A_189, %parallel_loop3A_190 : vector<16xi32>
        %parallel_loop3A_192 = tpu.dynamic_gather %parallel_loop3A_187[%parallel_loop3A_191] in [0] : vector<16xi32>, vector<16xi32> -> vector<16xi32>
        %parallel_loop3A_193 = vector.shape_cast %max3A_39 : vector<16xi32> to vector<16x1xi32>
        %parallel_loop3A_194 = vector.shape_cast %parallel_loop3A_193 : vector<16x1xi32> to vector<16xi32>
        %parallel_loop3A_195 = tpu.dynamic_gather %parallel_loop3A_175[%parallel_loop3A_194] in [0] : vector<16xf32>, vector<16xi32> -> vector<16xf32>
        %parallel_loop3A_196 = arith.constant -3.400000e+38 : f32
        %parallel_loop3A_197 = vector.broadcast %parallel_loop3A_196 : f32 to vector<16xf32>
        %parallel_loop3A_198 = arith.select %ge3A_59, %parallel_loop3A_195, %parallel_loop3A_197 : vector<16xi1>, vector<16xf32>
        %parallel_loop3A_199 = vector.shape_cast %max3A_39 : vector<16xi32> to vector<16x1xi32>
        %parallel_loop3A_200 = vector.shape_cast %parallel_loop3A_199 : vector<16x1xi32> to vector<16xi32>
        %parallel_loop3A_201 = tpu.dynamic_gather %parallel_loop3A_180[%parallel_loop3A_200] in [0] : vector<16xi32>, vector<16xi32> -> vector<16xi32>
        %parallel_loop3A_202 = vector.shape_cast %max3A_39 : vector<16xi32> to vector<16x1xi32>
        %parallel_loop3A_203 = vector.shape_cast %parallel_loop3A_202 : vector<16x1xi32> to vector<16xi32>
        %parallel_loop3A_204 = tpu.dynamic_gather %parallel_loop3A_192[%parallel_loop3A_203] in [0] : vector<16xi32>, vector<16xi32> -> vector<16xi32>
        %parallel_loop3A_205 = arith.constant 0 : i32
        %parallel_loop3A_206 = vector.broadcast %parallel_loop3A_205 : i32 to vector<16xi32>
        %parallel_loop3A_207 = arith.select %ge3A_59, %parallel_loop3A_204, %parallel_loop3A_206 : vector<16xi1>, vector<16xi32>
        %parallel_loop3A_208 = arith.constant 0 : i32
        %parallel_loop3A_209 = vector.broadcast %parallel_loop3A_208 : i32 to vector<16xi32>
        %parallel_loop3A_210 = arith.cmpi eq, %parallel_loop3A_192, %parallel_loop3A_209 : vector<16xi32>
        %parallel_loop3A_211 = arith.cmpf ogt, %parallel_loop3A_198, %parallel_loop3A_175 : vector<16xf32>
        %parallel_loop3A_212 = arith.cmpf oeq, %parallel_loop3A_198, %parallel_loop3A_175 : vector<16xf32>
        %parallel_loop3A_213 = arith.cmpi slt, %parallel_loop3A_201, %parallel_loop3A_180 : vector<16xi32>
        %parallel_loop3A_214 = arith.andi %parallel_loop3A_212, %parallel_loop3A_213 : vector<16xi1>
        %parallel_loop3A_215 = arith.ori %parallel_loop3A_211, %parallel_loop3A_214 : vector<16xi1>
        %parallel_loop3A_216 = arith.andi %parallel_loop3A_210, %parallel_loop3A_215 : vector<16xi1>
        %parallel_loop3A_217 = arith.select %parallel_loop3A_216, %parallel_loop3A_198, %parallel_loop3A_175 : vector<16xi1>, vector<16xf32>
        %parallel_loop3A_218 = arith.select %parallel_loop3A_216, %parallel_loop3A_201, %parallel_loop3A_180 : vector<16xi1>, vector<16xi32>
        %parallel_loop3A_219 = arith.ori %parallel_loop3A_192, %parallel_loop3A_207 : vector<16xi32>
        %parallel_loop3A_220 = vector.shape_cast %max3A_45 : vector<16xi32> to vector<16x1xi32>
        %parallel_loop3A_221 = vector.shape_cast %parallel_loop3A_220 : vector<16x1xi32> to vector<16xi32>
        %parallel_loop3A_222 = tpu.dynamic_gather %parallel_loop3A_217[%parallel_loop3A_221] in [0] : vector<16xf32>, vector<16xi32> -> vector<16xf32>
        %parallel_loop3A_223 = arith.constant -3.400000e+38 : f32
        %parallel_loop3A_224 = vector.broadcast %parallel_loop3A_223 : f32 to vector<16xf32>
        %parallel_loop3A_225 = arith.select %ge3A_62, %parallel_loop3A_222, %parallel_loop3A_224 : vector<16xi1>, vector<16xf32>
        %parallel_loop3A_226 = vector.shape_cast %max3A_45 : vector<16xi32> to vector<16x1xi32>
        %parallel_loop3A_227 = vector.shape_cast %parallel_loop3A_226 : vector<16x1xi32> to vector<16xi32>
        %parallel_loop3A_228 = tpu.dynamic_gather %parallel_loop3A_218[%parallel_loop3A_227] in [0] : vector<16xi32>, vector<16xi32> -> vector<16xi32>
        %parallel_loop3A_229 = vector.shape_cast %max3A_45 : vector<16xi32> to vector<16x1xi32>
        %parallel_loop3A_230 = vector.shape_cast %parallel_loop3A_229 : vector<16x1xi32> to vector<16xi32>
        %parallel_loop3A_231 = tpu.dynamic_gather %parallel_loop3A_219[%parallel_loop3A_230] in [0] : vector<16xi32>, vector<16xi32> -> vector<16xi32>
        %parallel_loop3A_232 = arith.constant 0 : i32
        %parallel_loop3A_233 = vector.broadcast %parallel_loop3A_232 : i32 to vector<16xi32>
        %parallel_loop3A_234 = arith.select %ge3A_62, %parallel_loop3A_231, %parallel_loop3A_233 : vector<16xi1>, vector<16xi32>
        %parallel_loop3A_235 = arith.constant 0 : i32
        %parallel_loop3A_236 = vector.broadcast %parallel_loop3A_235 : i32 to vector<16xi32>
        %parallel_loop3A_237 = arith.cmpi eq, %parallel_loop3A_219, %parallel_loop3A_236 : vector<16xi32>
        %parallel_loop3A_238 = arith.cmpf ogt, %parallel_loop3A_225, %parallel_loop3A_217 : vector<16xf32>
        %parallel_loop3A_239 = arith.cmpf oeq, %parallel_loop3A_225, %parallel_loop3A_217 : vector<16xf32>
        %parallel_loop3A_240 = arith.cmpi slt, %parallel_loop3A_228, %parallel_loop3A_218 : vector<16xi32>
        %parallel_loop3A_241 = arith.andi %parallel_loop3A_239, %parallel_loop3A_240 : vector<16xi1>
        %parallel_loop3A_242 = arith.ori %parallel_loop3A_238, %parallel_loop3A_241 : vector<16xi1>
        %parallel_loop3A_243 = arith.andi %parallel_loop3A_237, %parallel_loop3A_242 : vector<16xi1>
        %parallel_loop3A_244 = arith.select %parallel_loop3A_243, %parallel_loop3A_225, %parallel_loop3A_217 : vector<16xi1>, vector<16xf32>
        %parallel_loop3A_245 = arith.select %parallel_loop3A_243, %parallel_loop3A_228, %parallel_loop3A_218 : vector<16xi1>, vector<16xi32>
        %parallel_loop3A_246 = arith.ori %parallel_loop3A_219, %parallel_loop3A_234 : vector<16xi32>
        %parallel_loop3A_247 = vector.shape_cast %max3A_51 : vector<16xi32> to vector<16x1xi32>
        %parallel_loop3A_248 = vector.shape_cast %parallel_loop3A_247 : vector<16x1xi32> to vector<16xi32>
        %parallel_loop3A_249 = tpu.dynamic_gather %parallel_loop3A_244[%parallel_loop3A_248] in [0] : vector<16xf32>, vector<16xi32> -> vector<16xf32>
        %parallel_loop3A_250 = arith.constant -3.400000e+38 : f32
        %parallel_loop3A_251 = vector.broadcast %parallel_loop3A_250 : f32 to vector<16xf32>
        %parallel_loop3A_252 = arith.select %ge3A_65, %parallel_loop3A_249, %parallel_loop3A_251 : vector<16xi1>, vector<16xf32>
        %parallel_loop3A_253 = vector.shape_cast %max3A_51 : vector<16xi32> to vector<16x1xi32>
        %parallel_loop3A_254 = vector.shape_cast %parallel_loop3A_253 : vector<16x1xi32> to vector<16xi32>
        %parallel_loop3A_255 = tpu.dynamic_gather %parallel_loop3A_245[%parallel_loop3A_254] in [0] : vector<16xi32>, vector<16xi32> -> vector<16xi32>
        %parallel_loop3A_256 = vector.shape_cast %max3A_51 : vector<16xi32> to vector<16x1xi32>
        %parallel_loop3A_257 = vector.shape_cast %parallel_loop3A_256 : vector<16x1xi32> to vector<16xi32>
        %parallel_loop3A_258 = tpu.dynamic_gather %parallel_loop3A_246[%parallel_loop3A_257] in [0] : vector<16xi32>, vector<16xi32> -> vector<16xi32>
        %parallel_loop3A_259 = arith.constant 0 : i32
        %parallel_loop3A_260 = vector.broadcast %parallel_loop3A_259 : i32 to vector<16xi32>
        %parallel_loop3A_261 = arith.select %ge3A_65, %parallel_loop3A_258, %parallel_loop3A_260 : vector<16xi1>, vector<16xi32>
        %parallel_loop3A_262 = arith.constant 0 : i32
        %parallel_loop3A_263 = vector.broadcast %parallel_loop3A_262 : i32 to vector<16xi32>
        %parallel_loop3A_264 = arith.cmpi eq, %parallel_loop3A_246, %parallel_loop3A_263 : vector<16xi32>
        %parallel_loop3A_265 = arith.cmpf ogt, %parallel_loop3A_252, %parallel_loop3A_244 : vector<16xf32>
        %parallel_loop3A_266 = arith.cmpf oeq, %parallel_loop3A_252, %parallel_loop3A_244 : vector<16xf32>
        %parallel_loop3A_267 = arith.cmpi slt, %parallel_loop3A_255, %parallel_loop3A_245 : vector<16xi32>
        %parallel_loop3A_268 = arith.andi %parallel_loop3A_266, %parallel_loop3A_267 : vector<16xi1>
        %parallel_loop3A_269 = arith.ori %parallel_loop3A_265, %parallel_loop3A_268 : vector<16xi1>
        %parallel_loop3A_270 = arith.andi %parallel_loop3A_264, %parallel_loop3A_269 : vector<16xi1>
        %parallel_loop3A_271 = arith.select %parallel_loop3A_270, %parallel_loop3A_252, %parallel_loop3A_244 : vector<16xi1>, vector<16xf32>
        %parallel_loop3A_272 = arith.select %parallel_loop3A_270, %parallel_loop3A_255, %parallel_loop3A_245 : vector<16xi1>, vector<16xi32>
        %parallel_loop3A_273 = arith.ori %parallel_loop3A_246, %parallel_loop3A_261 : vector<16xi32>
        %parallel_loop3A_274 = vector.shape_cast %max3A_57 : vector<16xi32> to vector<16x1xi32>
        %parallel_loop3A_275 = vector.shape_cast %parallel_loop3A_274 : vector<16x1xi32> to vector<16xi32>
        %parallel_loop3A_276 = tpu.dynamic_gather %parallel_loop3A_271[%parallel_loop3A_275] in [0] : vector<16xf32>, vector<16xi32> -> vector<16xf32>
        %parallel_loop3A_277 = arith.constant -3.400000e+38 : f32
        %parallel_loop3A_278 = vector.broadcast %parallel_loop3A_277 : f32 to vector<16xf32>
        %parallel_loop3A_279 = arith.select %ge3A_68, %parallel_loop3A_276, %parallel_loop3A_278 : vector<16xi1>, vector<16xf32>
        %parallel_loop3A_280 = vector.shape_cast %max3A_57 : vector<16xi32> to vector<16x1xi32>
        %parallel_loop3A_281 = vector.shape_cast %parallel_loop3A_280 : vector<16x1xi32> to vector<16xi32>
        %parallel_loop3A_282 = tpu.dynamic_gather %parallel_loop3A_272[%parallel_loop3A_281] in [0] : vector<16xi32>, vector<16xi32> -> vector<16xi32>
        %parallel_loop3A_283 = vector.shape_cast %max3A_57 : vector<16xi32> to vector<16x1xi32>
        %parallel_loop3A_284 = vector.shape_cast %parallel_loop3A_283 : vector<16x1xi32> to vector<16xi32>
        %parallel_loop3A_285 = tpu.dynamic_gather %parallel_loop3A_273[%parallel_loop3A_284] in [0] : vector<16xi32>, vector<16xi32> -> vector<16xi32>
        %parallel_loop3A_286 = arith.constant 0 : i32
        %parallel_loop3A_287 = vector.broadcast %parallel_loop3A_286 : i32 to vector<16xi32>
        %parallel_loop3A_288 = arith.select %ge3A_68, %parallel_loop3A_285, %parallel_loop3A_287 : vector<16xi1>, vector<16xi32>
        %parallel_loop3A_289 = arith.constant 0 : i32
        %parallel_loop3A_290 = vector.broadcast %parallel_loop3A_289 : i32 to vector<16xi32>
        %parallel_loop3A_291 = arith.cmpi eq, %parallel_loop3A_273, %parallel_loop3A_290 : vector<16xi32>
        %parallel_loop3A_292 = arith.cmpf ogt, %parallel_loop3A_279, %parallel_loop3A_271 : vector<16xf32>
        %parallel_loop3A_293 = arith.cmpf oeq, %parallel_loop3A_279, %parallel_loop3A_271 : vector<16xf32>
        %parallel_loop3A_294 = arith.cmpi slt, %parallel_loop3A_282, %parallel_loop3A_272 : vector<16xi32>
        %parallel_loop3A_295 = arith.andi %parallel_loop3A_293, %parallel_loop3A_294 : vector<16xi1>
        %parallel_loop3A_296 = arith.ori %parallel_loop3A_292, %parallel_loop3A_295 : vector<16xi1>
        %parallel_loop3A_297 = arith.andi %parallel_loop3A_291, %parallel_loop3A_296 : vector<16xi1>
        %parallel_loop3A_298 = arith.select %parallel_loop3A_297, %parallel_loop3A_279, %parallel_loop3A_271 : vector<16xi1>, vector<16xf32>
        %parallel_loop3A_299 = arith.select %parallel_loop3A_297, %parallel_loop3A_282, %parallel_loop3A_272 : vector<16xi1>, vector<16xi32>
        %parallel_loop3A_300 = arith.ori %parallel_loop3A_273, %parallel_loop3A_288 : vector<16xi32>
        %parallel_loop3A_301 = arith.constant 0 : i32
        %parallel_loop3A_302 = vector.broadcast %parallel_loop3A_301 : i32 to vector<16xi32>
        %parallel_loop3A_303 = arith.cmpi eq, %parallel_loop3A_300, %parallel_loop3A_302 : vector<16xi32>
        %parallel_loop3A_304 = arith.cmpf ogt, %parallel_loop3A_147, %parallel_loop3A_298 : vector<16xf32>
        %parallel_loop3A_305 = arith.cmpf oeq, %parallel_loop3A_147, %parallel_loop3A_298 : vector<16xf32>
        %parallel_loop3A_306 = arith.cmpi slt, %parallel_loop3A_148, %parallel_loop3A_299 : vector<16xi32>
        %parallel_loop3A_307 = arith.andi %parallel_loop3A_305, %parallel_loop3A_306 : vector<16xi1>
        %parallel_loop3A_308 = arith.ori %parallel_loop3A_304, %parallel_loop3A_307 : vector<16xi1>
        %parallel_loop3A_309 = arith.andi %parallel_loop3A_303, %parallel_loop3A_308 : vector<16xi1>
        %parallel_loop3A_310 = arith.select %parallel_loop3A_309, %parallel_loop3A_147, %parallel_loop3A_298 : vector<16xi1>, vector<16xf32>
        %parallel_loop3A_311 = arith.select %parallel_loop3A_309, %parallel_loop3A_148, %parallel_loop3A_299 : vector<16xi1>, vector<16xi32>
        %parallel_loop3A_312 = vector.shape_cast %broadcast_in_dim3A_13 : vector<16xi32> to vector<16x1xi32>
        %parallel_loop3A_313 = vector.shape_cast %parallel_loop3A_312 : vector<16x1xi32> to vector<16xi32>
        %parallel_loop3A_314 = tpu.dynamic_gather %parallel_loop3A_310[%parallel_loop3A_313] in [0] : vector<16xf32>, vector<16xi32> -> vector<16xf32>
        %parallel_loop3A_315 = vector.shape_cast %broadcast_in_dim3A_13 : vector<16xi32> to vector<16x1xi32>
        %parallel_loop3A_316 = vector.shape_cast %parallel_loop3A_315 : vector<16x1xi32> to vector<16xi32>
        %parallel_loop3A_317 = tpu.dynamic_gather %parallel_loop3A_311[%parallel_loop3A_316] in [0] : vector<16xi32>, vector<16xi32> -> vector<16xi32>
        %parallel_loop3A_318 = arith.constant 15 : i32
        %parallel_loop3A_319 = vector.broadcast %parallel_loop3A_318 : i32 to vector<16xi32>
        %parallel_loop3A_320 = tpu.iota {dimensions = array<i32: 0>} : vector<16xi32>
        %parallel_loop3A_321 = arith.subi %parallel_loop3A_319, %parallel_loop3A_320 : vector<16xi32>
        %parallel_loop3A_322 = tpu.dynamic_gather %parallel_loop3A_310[%parallel_loop3A_321] in [0] : vector<16xf32>, vector<16xi32> -> vector<16xf32>
        %parallel_loop3A_323 = arith.constant 15 : i32
        %parallel_loop3A_324 = vector.broadcast %parallel_loop3A_323 : i32 to vector<16xi32>
        %parallel_loop3A_325 = tpu.iota {dimensions = array<i32: 0>} : vector<16xi32>
        %parallel_loop3A_326 = arith.subi %parallel_loop3A_324, %parallel_loop3A_325 : vector<16xi32>
        %parallel_loop3A_327 = tpu.dynamic_gather %parallel_loop3A_311[%parallel_loop3A_326] in [0] : vector<16xi32>, vector<16xi32> -> vector<16xi32>
        %parallel_loop3A_328 = arith.constant 16 : i32
        %parallel_loop3A_329 = arith.muli %parallel_loop3A_150, %parallel_loop3A_328 : i32
        %parallel_loop3A_330 = arith.index_cast %parallel_loop3A_329 : i32 to index
        %parallel_loop3A_331 = tpu.vector_load %arg7[%parallel_loop3A_330] {strides = array<i32>} : memref<1040xf32, #tpu.memory_space<vmem>>, vector<16xf32>,
        %parallel_loop3A_332 = arith.constant 16 : i32
        %parallel_loop3A_333 = arith.muli %parallel_loop3A_150, %parallel_loop3A_332 : i32
        %parallel_loop3A_334 = arith.index_cast %parallel_loop3A_333 : i32 to index
        %parallel_loop3A_335 = tpu.vector_load %arg8[%parallel_loop3A_334] {strides = array<i32>} : memref<1040xi32, #tpu.memory_space<vmem>>, vector<16xi32>,
        %parallel_loop3A_336 = arith.cmpf ogt, %parallel_loop3A_322, %parallel_loop3A_331 : vector<16xf32>
        %parallel_loop3A_337 = arith.cmpf oeq, %parallel_loop3A_322, %parallel_loop3A_331 : vector<16xf32>
        %parallel_loop3A_338 = arith.cmpi slt, %parallel_loop3A_327, %parallel_loop3A_335 : vector<16xi32>
        %parallel_loop3A_339 = arith.andi %parallel_loop3A_337, %parallel_loop3A_338 : vector<16xi1>
        %parallel_loop3A_340 = arith.ori %parallel_loop3A_336, %parallel_loop3A_339 : vector<16xi1>
        %parallel_loop3A_341 = arith.select %parallel_loop3A_340, %parallel_loop3A_327, %parallel_loop3A_335 : vector<16xi1>, vector<16xi32>
        %parallel_loop3A_342 = tpu.vector_load_idx %arg6[%parallel_loop3A_341] : memref<1040xf32, #tpu.memory_space<vmem>>[vector<16xi32>], vector<16xf32>,
        %parallel_loop3A_343 = arith.constant 16 : i32
        %parallel_loop3A_344 = arith.muli %parallel_loop3A_150, %parallel_loop3A_343 : i32
        %parallel_loop3A_345 = arith.index_cast %parallel_loop3A_344 : i32 to index
        %parallel_loop3A_346 = tpu.vector_load %arg6[%parallel_loop3A_345] {strides = array<i32>} : memref<1040xf32, #tpu.memory_space<vmem>>, vector<16xf32>,
        %parallel_loop3A_347 = arith.subf %parallel_loop3A_346, %parallel_loop3A_342 : vector<16xf32>
        %parallel_loop3A_348 = arith.constant 0.000000e+00 : f32
        %parallel_loop3A_349 = vector.broadcast %parallel_loop3A_348 : f32 to vector<16xf32>
        %parallel_loop3A_350 = arith.select %parallel_loop3A_163, %parallel_loop3A_347, %parallel_loop3A_349 : vector<16xi1>, vector<16xf32>
        %parallel_loop3A_351 = arith.constant 16 : i32
        %parallel_loop3A_352 = arith.muli %parallel_loop3A_150, %parallel_loop3A_351 : i32
        %parallel_loop3A_353 = arith.index_cast %parallel_loop3A_352 : i32 to index
        %parallel_loop3A_354 = tpu.vector_load %arg9[%parallel_loop3A_353] {strides = array<i32>} : memref<1040xf32, #tpu.memory_space<vmem>>, vector<16xf32>,
        tpu.vector_store %arg9[%parallel_loop3A_353], %parallel_loop3A_350 {strides = array<i32>} : memref<1040xf32, #tpu.memory_space<vmem>>, vector<16xf32>,
        scf.yield %parallel_loop3A_314, %parallel_loop3A_317 : vector<16xf32>, vector<16xi32>
      } {sc.loop_unroll_factor = 2 : i64, sc.parallel_access}
      "tpu.region"() ({
        %run_scoped3A = tpu.sem_alloc : memref<!tpu.dma_semaphore, #tpu.memory_space<semaphore_mem>>
        %dma_start3A = arith.constant 0 : i32
        %dma_start3A_146 = tpu.memref_slice %arg9[%dma_start3A] : memref<1040xf32, #tpu.memory_space<vmem>> -> memref<1025xf32, #tpu.memory_space<vmem>>
        %dma_start3A_147 = arith.constant 0 : i32
        %dma_start3A_148 = tpu.memref_slice %arg9[%dma_start3A_147] : memref<1040xf32, #tpu.memory_space<vmem>> -> memref<1025xf32, #tpu.memory_space<vmem>>
        tpu.enqueue_dma source(%dma_start3A_148 : memref<1025xf32, #tpu.memory_space<vmem>>) target(%arg3 : memref<1025xf32, #tpu.memory_space<hbm>>) target_semaphore(%run_scoped3A : memref<!tpu.dma_semaphore, #tpu.memory_space<semaphore_mem>>)
        %dma_wait3A = arith.constant 0 : i32
        %dma_wait3A_149 = tpu.memref_slice %arg9[%dma_wait3A] : memref<1040xf32, #tpu.memory_space<vmem>> -> memref<1025xf32, #tpu.memory_space<vmem>>
        %dma_wait3A_150 = arith.constant 0 : i32
        %dma_wait3A_151 = tpu.memref_slice %arg9[%dma_wait3A_150] : memref<1040xf32, #tpu.memory_space<vmem>> -> memref<1025xf32, #tpu.memory_space<vmem>>
        tpu.wait_dma2 semaphore(%run_scoped3A : memref<!tpu.dma_semaphore, #tpu.memory_space<semaphore_mem>>) src(%dma_wait3A_151 : memref<1025xf32, #tpu.memory_space<vmem>>) dst(%arg3 : memref<1025xf32, #tpu.memory_space<hbm>>)
        tpu.yield
      }) : () -> ()
    } else {
    }
    return
  }
}

</mosaic_0001>

<sc_bundles>
// kernel: kernel.3.cloned.1.call-start
scs
__scs_entry_jumppad:
0x0: {  	(pc) =	sbr.rel $0x88, $3  }
0x1: {  	(tag) =	ssettag $0x0;
	lr =	simm.s32 $0x1  }
0x2: {  	[smem:$0x3FA0] =	sst lr;
	_ =	strace $0xD0000000  }
0x3: {  	_ = 	snop  }
0x4: {  	_ = 	snop  }
0x5: {  	_ = 	snop  }
0x6: {  	_ = 	snop  }
0x7: {  	_ = 	snop  }
__scs_overlays_trampoline_lowered:
0x8: {  	[smem:$0x3FAF] =	sst s0  }
0x9: {  	[smem:$0x3FB0] =	sst s1  }
0xa: {  	[smem:$0x3FB1] =	sst s2  }
0xb: {  	[smem:$0x3FB2] =	sst s3  }
0xc: {  	[smem:$0x3FB3] =	sst s4  }
0xd: {  	[smem:$0x3FB4] =	sst s5  }
0xe: {  	[smem:$0x3FB5] =	sst s6  }
0xf: {  	[smem:$0x3FB6] =	sst s7  }
0x10: {  	[smem:$0x3FB7] =	sst s8  }
0x11: {  	[smem:$0x3FB8] =	sst s9;
	s0 =	simm.s32 @!p0 $0x0  }
0x12: {  	s1 =	sld [smem:$0x3F9E];
	s0 =	simm.s32 @p0 $0x1  }
0x13: {  	[smem:$0x3FB9] =	sst s0;
	s0 =	simm.s32 @!p1 $0x0  }
0x14: {  	s2 =	sld [smem:$0x3F9D];
	s0 =	simm.s32 @p1 $0x1  }
0x15: {  	[smem:$0x3FBA] =	sst s0;
	s0 =	simm.s32 @!p2 $0x0  }
0x16: {  	s3 =	sld [smem:$0x3FDB];
	s0 =	simm.s32 @p2 $0x1  }
0x17: {  	s4 =	simm.s32 $0x1BF5;
	[smem:$0x3FBC] =	sst s0  }
0x18: {  	s0 =	sld [smem:$0x3F9F];
	_ =	swait.ge [sflag:s4], $0x0  }
0x19: {  	s7 =	sld [smem:$0x3FA0]  }
0x1a: {  	s8 =	sadd.s32 $0xFFFFE003, lr  }
0x1b: {  	s9 =	sadd.s32 $0xFFFFFEF7, lr;
	s5 =	simm.s32 $0xFFFFFFFF;
	p2 =	slt.u32 s8, $0xFFFFF086  }
0x1c: {  	p1 =	slt.u32 s9, $0xF7A;
	s5 =	simm.s32 @!p2 $0x0  }
0x1d: {  	s5 =	simm.s32 @p1 $0x1;
	p0 =	seq.s32 s7, s2  }
0x1e: {  	s7 =	smul.u32 @!p0 $0xF7A, s2;
	p2 =	seq.s32 @!p0 s5, $0x0  }
0x1f: {  	s9 =	smul.u32 $0xF7A, s1;
	s8 =	simm.s32 @!p0 $0x1BF5;
	p2 =	por !p2, p0  }
0x20: {  	[sflag:s8] =	ssyncset.s32 @!p0 $0xFFFFF086;
	s6 =	sadd.s32 @!p0 s3, s7;
	s7 =	simm.s32 @!p0 $0x108  }
0x21: {  	s3 =	sadd.s32 s3, s9;
	s6 =	sadd.s32 @!p0 $0x88, s6;
	s7 =	simm.s32 @p2 $0x1082  }
0x22: {  	[simem:s7], [sflag:s8] =	dma.local @!p0 [hbm:s6], $0xF7A  }
0x23: {  	s9 =	sor.u32 $0xD0000000, s2;
	s6 =	simm.s32 $0x108;
	_ =	swait.ge @!p0 [sflag:s8], $0x0  }
0x24: {  	s3 =	sadd.s32 $0x88, s3;
	s6 =	simm.s32 @!p1 $0x1082;
	[sflag:s4] =	ssyncset.s32 $0xFFFFF086  }
0x25: {  	[simem:s6], [sflag:s4] =	dma.local [hbm:s3], $0xF7A  }
0x26: {  	[smem:$0x3FA0] =	sst s1;
	(tag) =	ssettag s2;
	_ =	strace s9  }
0x27: {  	s1 =	sld [smem:$0x3FB0]  }
0x28: {  	s2 =	sld [smem:$0x3FB1]  }
0x29: {  	s4 =	sld [smem:$0x3FB3]  }
0x2a: {  	p0 =	seq.s32 s5, $0x0;
	s5 =	sld [smem:$0x3FB4]  }
0x2b: {  	s6 =	sld [smem:$0x3FB5]  }
0x2c: {  	s7 =	sld [smem:$0x3FB6]  }
0x2d: {  	s3 =	simm.s32 $0x108;
	s8 =	sld [smem:$0x3FB7]  }
0x2e: {  	s3 =	simm.s32 @!p0 $0x1082;
	s9 =	sld [smem:$0x3FB8]  }
0x2f: {  	lr =	sadd.s32 s0, s3;
	s0 =	sld [smem:$0x3FAF]  }
0x30: {  	s3 =	sld [smem:$0x3FB2]  }
0x31: {  	[smem:$0x3FBB] =	sst s10  }
0x32: {  	s10 =	sld [smem:$0x3FB9];
	_ =	sdelay $0x3  }
0x33: {  	p0 =	seq.s32 s10, $0x1;
	s10 =	sld [smem:$0x3FBB];
	_ =	sdelay $0x3  }
0x34: {  	[smem:$0x3FBB] =	sst s10  }
0x35: {  	s10 =	sld [smem:$0x3FBA];
	_ =	sdelay $0x3  }
0x36: {  	p1 =	seq.s32 s10, $0x1;
	s10 =	sld [smem:$0x3FBB];
	_ =	sdelay $0x3  }
0x37: {  	[smem:$0x3FBB] =	sst s10  }
0x38: {  	s10 =	sld [smem:$0x3FBC]  }
0x39: {  	_ = 	snop;
	(pc) =	sbr.ind lr, $3  }
0x3a: {  	_ = 	snop  }
0x3b: {  	_ = 	snop  }
0x3c: {  	p2 =	seq.s32 s10, $0x1;
	s10 =	sld [smem:$0x3FBB]  }
0x3d: {  	_ =	shalt  }
0x3e: {  	_ =	shalt  }
0x3f: {  	_ =	shalt  }
0x40: {  	_ =	shalt  }
0x41: {  	_ =	shalt  }
0x42: {  	_ =	shalt  }
0x43: {  	_ =	shalt  }
0x44: {  	_ =	shalt  }
0x45: {  	_ =	shalt  }
0x46: {  	_ =	shalt  }
0x47: {  	_ =	shalt  }
0x48: {  	_ =	shalt  }
0x49: {  	_ =	shalt  }
0x4a: {  	_ =	shalt  }
0x4b: {  	_ =	shalt  }
0x4c: {  	_ =	shalt  }
0x4d: {  	_ =	shalt  }
0x4e: {  	_ =	shalt  }
0x4f: {  	_ =	shalt  }
0x50: {  	_ =	shalt  }
0x51: {  	_ =	shalt  }
0x52: {  	_ =	shalt  }
0x53: {  	_ =	shalt  }
0x54: {  	_ =	shalt  }
0x55: {  	_ =	shalt  }
0x56: {  	_ =	shalt  }
0x57: {  	_ =	shalt  }
0x58: {  	_ =	shalt  }
0x59: {  	_ =	shalt  }
0x5a: {  	_ =	shalt  }
0x5b: {  	_ =	shalt  }
0x5c: {  	_ =	shalt  }
0x5d: {  	_ =	shalt  }
0x5e: {  	_ =	shalt  }
0x5f: {  	_ =	shalt  }
0x60: {  	_ =	shalt  }
0x61: {  	_ =	shalt  }
0x62: {  	_ =	shalt  }
0x63: {  	_ =	shalt  }
0x64: {  	_ =	shalt  }
0x65: {  	_ =	shalt  }
0x66: {  	_ =	shalt  }
0x67: {  	_ =	shalt  }
0x68: {  	_ =	shalt  }
0x69: {  	_ =	shalt  }
0x6a: {  	_ =	shalt  }
0x6b: {  	_ =	shalt  }
0x6c: {  	_ =	shalt  }
0x6d: {  	_ =	shalt  }
0x6e: {  	_ =	shalt  }
0x6f: {  	_ =	shalt  }
0x70: {  	_ =	shalt  }
0x71: {  	_ =	shalt  }
0x72: {  	_ =	shalt  }
0x73: {  	_ =	shalt  }
0x74: {  	_ =	shalt  }
0x75: {  	_ =	shalt  }
0x76: {  	_ =	shalt  }
0x77: {  	_ =	shalt  }
0x78: {  	_ =	shalt  }
0x79: {  	_ =	shalt  }
0x7a: {  	_ =	shalt  }
0x7b: {  	_ =	shalt  }
0x7c: {  	_ =	shalt  }
0x7d: {  	_ =	shalt  }
0x7e: {  	_ =	shalt  }
0x7f: {  	_ =	shalt  }
0x80: {  	_ =	shalt  }
0x81: {  	_ =	shalt  }
0x82: {  	_ =	shalt  }
0x83: {  	_ =	shalt  }
0x84: {  	_ =	shalt  }
0x85: {  	_ =	shalt  }
0x86: {  	_ =	shalt  }
0x87: {  	_ =	shalt  }
.Lfunc_end0:
.L_simem_size_0:
called_computation_lowered:
.L_overlay_start_0:
0x88: {  	s0 =	sld [smem:$0x3FD9]  }
0x89: {  	s1 =	sld [smem:$0x3FFE];
	_ =	sdelay $0x3  }
0x8a: {  	s0 =	sadd.s32 s1, s0  }
0x8b: {  	[smem:$0x3FC7] =	sst s0  }
0x8c: {  	_ = 	snop  }
0x8d: {  	(tm) =	ssettm $0x1  }
0x8e: {  	s15 =	sld [smem:$0x3FFB];
	_ =	sdelay $0x3  }
0x8f: {  	_ =	strace s15  }
0x90: {  	s0 =	sld [smem:$0x3FFC];
	_ =	sdelay $0x3  }
0x91: {  	_ =	strace s0  }
0x92: {  	s0 =	sld [smem:$0x3FFD];
	_ =	sdelay $0x3  }
0x93: {  	_ =	strace s0  }
0x94: {  	_ =	strace $0x8FFFFFFF  }
0x95: {  	s16 =	sld [smem:$0x3FDB];
	_ =	sdelay $0x1  }
0x96: {  	s17 =	simm.s32 $_scs_section_size  }
0x97: {  	s2 =	simm.s32 $_size__tile_overlayer_lowered;
	s3 =	simm.s32 $_tile_overlayer_lowered  }
0x98: {  	s20 =	simm.s32 $0x1BFF;
	s19 =	sshll.u32 s3, $0x1;
	s0 =	sadd.s32 s17, s16  }
0x99: {  	s4 =	simm.s32 $0x0;
	s18 =	sshll.u32 s2, $0x1;
	s2 =	sadd.s32 s19, s0  }
0x9a: {  	[timem:s4], [sflag:s20] =	dma.local [hbm:s2], s18  }
0x9b: {  	_ =	swait.ge [sflag:s20], s18  }
0x9c: {  	s1 =	ssub.s32 $0x0, s18;
	[sflag:s20] =	ssyncset.done $0x0  }
0x9d: {  	[sflag:s20] =	ssyncadd.s32 s1;
	_ =	sdelay $0x1  }
0x9e: {  	s21 =	simm.s32 $0x1B8B  }
0x9f: {  	_ =	swait.ge [sflag:s21], $0x1  }
0xa0: {  	[sflag:s21] =	ssyncset.done $0x0  }
0xa1: {  	s23 =	simm.s32 $0x1B8E;
	s22 =	sld [smem:$0x3FFE];
	[sflag:s21] =	ssyncadd.s32 $0xFFFFFFFF  }
0xa2: {  	s24 =	simm.s32 $execute0_lowered;
	[smem:$0x3FD2] =	sst s23  }
0xa3: {  	s2 =	sshll.u32 s24, $0x1;
	_ =	strace $0x80000046;
	[dreg:$0x1] =	wrdreg $0xFFFFFFFF  }
0xa4: {  	s25 =	simm.s32 $_size_execute0_lowered;
	s0 =	sadd.s32 s0, s2;
	[dreg:$0x0] =	wrdreg $0x0  }
0xa5: {  	s2 =	sshll.u32 s25, $0x1;
	[dreg:$0x2] =	wrdreg s0  }
0xa6: {  	[dreg:$0x3] =	wrdreg s2  }
0xa7: {  	[dreg:$0x4] =	wrdreg $0xC0  }
0xa8: {  	_ =	task [dreg:s4], $0x5FFFF  }
0xa9: {  	[dreg:$0x1] =	wrdreg $0xFFFFFFFF  }
0xaa: {  	[dreg:$0x0] =	wrdreg $0x60  }
0xab: {  	[dreg:$0x2] =	wrdreg s22  }
0xac: {  	[dreg:$0x3] =	wrdreg $0x9  }
0xad: {  	_ =	task.clear_ibuf [dreg:s4], $0x4FFFF;
	_ =	strace $0x90000046  }
0xae: {  	s26 =	simm.s32 $0x9;
	_ =	strace $0x80000048  }
0xaf: {  	_ =	swait.ge [sflag:s26], $0x1  }
0xb0: {  	[sflag:s26] =	ssyncadd.s32 $0xFFFFFFFF  }
0xb1: {  	_ =	strace $0x90000048  }
0xb2: {  	_ =	sfence  }
0xb3: {  	s28 =	sld [smem:$0x0];
	_ =	sdelay $0x1  }
0xb4: {  	s29 =	srdreg.scid  }
0xb5: {  	s30 =	sshll.u32 s29, $0xD;
	s31 =	sshrl.u32 s29, $0x2  }
0xb6: {  	s1 =	sand.u32 $0x1, s29;
	s2 =	sand.u32 $0x4000, s30;
	s0 =	sadd.s32 s31, s28  }
0xb7: {  	s1 =	sor.u32 s2, s1;
	s0 =	sshll.u32 s0, $0x11  }
0xb8: {  	s0 =	sor.u32 s0, s1  }
0xb9: {  	s0 =	sadd.s32 $0x8F2B, s0  }
0xba: {  	[sflag:s0] =	ssyncadd.remote.s32 $0x1  }
0xbb: {  	_ =	sfence.sel $0xFFFF  }
0xbc: {  	[dreg:$0x0] =	wrdreg $0xFFFFFFFF;
	(pc) =	sbr.abs _section_cstart, $3  }
0xbd: {  	[dreg:$0x1] =	wrdreg $0xFFFFFFFF  }
0xbe: {  	_ =	task.clear_ibuf [dreg:s4], $0x2FFFF;
	_ =	strace $0x9FFFFFFF  }
0xbf: {  	(tm) =	ssettm $0x7FFFFFFF  }
tec
execute0_lowered:
.L_overlay_start_1:
0x0: {  	(tag) =	ssettag $0x1  }
0x1: {  	s1 =	rddreg [dreg:$0x0];
	s2 =	stileid.u32  }
0x2: {  	s0 =	rddreg [dreg:$0x1];
	_ =	strace $0x80000047;
	p0 =	sne.s32 s2, $0x0  }
0x3: {  	_ =	sfence.sel @p0 $0x180000  }
0x4: {  	[bflag:$0x0] =	sbarrier.arrive @p0 $0xFFFF  }
0x5: {  	_ =	strace @p0 $0x90000047  }
0x6: {  	[bflag:$0x2] =	sbarrier.arrive @p0 $0xFFFF  }
0x7: {  	_ =	shalt @p0  }
.LBB2_1:
0x8: {  	s2 =	simm.s32 $0x0;
	s3 =	simm.s32 $0x1  }
0x9: {  	[tilespmem:s2], [sflag:$0x1] =	stream.linear.gather [hbm4b:s1+s2], $0x401, $0x38;
	[tilespmem:$0x1B00] =	vst v63  }
0xa: {  	_ =	swait.ge [sflag:s3], $0x401  }
0xb: {  	[sflag:s3] =	ssyncset.done $0x0  }
0xc: {  	[sflag:s3] =	ssyncadd.s32 $0xFFFFFBFF  }
0xd: {  	v1 =	vld [tilespmem:$0x0];
	_ =	sdelay $0x4  }
0xe: {  	v0 =	vand.u32 $0x7FFFFF, v1  }
0xf: {  	v0 =	vor.u32 $0x3F800000, v0  }
0x10: {  	v2 =	vmul.f32 $5.000000000e-01, v0  }
0x11: {  	vm0 =	vgt.f32 v0, $1.414213540e+00  }
0x12: {  	v0 =	vsel vm0, v2, v0  }
0x13: {  	v0 =	vadd.f32 $-1.000000000e+00, v0;
	_ =	sdelay $0x1  }
0x14: {  	v2 =	vadd.f32 $2.000000000e+00, v0;
	_ =	sdelay $0x1  }
0x15: {  	(erf) = vrcp.f32 v2;
	_ =	sdelay $0x8  }
0x16: {  	v2 =	vpop (erf)  }
0x17: {  	v2 =	vmul.f32 v2, v0;
	_ =	sdelay $0x1  }
0x18: {  	v3 =	vmul.f32 v2, v2;
	_ =	sdelay $0x1  }
0x19: {  	v0 =	vmul.f32 $1.428571490e-01, v3;
	_ =	sdelay $0x1  }
0x1a: {  	v0 =	vadd.f32 $2.000000030e-01, v0;
	_ =	sdelay $0x1  }
0x1b: {  	v4 =	vmul.f32 v0, v3;
	_ =	sdelay $0x1  }
0x1c: {  	v0 =	vimm.s32 $0x0;
	v4 =	vadd.f32 $3.333333430e-01, v4  }
0x1d: {  	v1 =	vshrl.u32 v1, $0x17;
	v5 =	vsel vm0, $0x1, v0  }
0x1e: {  	v2 =	vadd.f32 v2, v2;
	v1 =	vadd.s32 v5, v1;
	v3 =	vmul.f32 v4, v3  }
0x1f: {  	v1 =	vadd.s32 $0xFFFFFF81, v1  }
0x20: {  	v1 =	vcvt.s32.f32 v1;
	v3 =	vmul.f32 v3, v2  }
0x21: {  	v10 =	vimm.f32 $-1.000000000e+00  }
0x22: {  	[tilespmem:$0x480] =	vst v10;
	v1 =	vmul.f32 $6.931471820e-01, v1;
	v2 =	vadd.f32 v3, v2  }
0x23: {  	[tilespmem:$0x8B1] =	vst v10;
	v4 =	vimm.f32 $5.000000000e-01  }
0x24: {  	[tilespmem:$0x401] =	vst v4;
	v14 =	vadd.f32 v2, v1  }
0x25: {  	[tilespmem:$0x411] =	vst v4  }
0x26: {  	s30 =	simm.s32 $0x20;
	vm5 =	vmmov $0x1;
	v9 =	vimm.s32 $0xFFEDCBA9;
	vm4 =	vcmask $0x300;
	[tilespmem:$0x490] =	vst v14  }
0x27: {  	vm1 =	vmmov $0x3;
	v13 =	vimm.s32 $0x32100000;
	v1 =	vimm.s32 $0xEDCBA987;
	v12 =	vld [tilespmem:s30+$0xFFFFFFF0]  }
0x28: {  	vm6 =	vmmov $0x7fff;
	v2 =	vimm.s32 $0x65432100;
	v1 =	vunpack.c.l.s4.s8 v1  }
0x29: {  	v13 =	vunpack.c.l.s4.s8 v13;
	v5 =	vimm.s32 $0xDCBA9876;
	v3 =	vunpack.c.l.s4.s8 v2  }
0x2a: {  	vm3 =	vcmask $0x3F30;
	v5 =	vunpack.c.l.s4.s8 v5;
	v1 =	vunpack.c.0.s8.s32 v1  }
0x2b: {  	v13 =	vunpack.c.0.s8.s32 v13;
	vm0 =	vmmov $0xf;
	v3 =	vunpack.c.0.s8.s32 v3;
	v15 =	vld [tilespmem:s30+$0x0]  }
0x2c: {  	v5 =	vunpack.c.0.s8.s32 v5;
	v1 =	vand.u32 $0xF, v1;
	v6 =	vand.u32 $0x7FFFFF, v12  }
0x2d: {  	v1 =	vcombine.low v3, v1;
	v3 =	vimm.s32 $0x54321000;
	v7 =	vor.u32 $0x3F800000, v6  }
0x2e: {  	v4 =	vimm.f32 $-3.399999950e+38;
	v3 =	vunpack.c.l.s4.s8 v3;
	v8 =	vmul.f32 $5.000000000e-01, v7  }
0x2f: {  	v5 =	vand.u32 $0xF, v5;
	v2 =	vimm.f32 $0.0e+00;
	vm2 =	vgt.f32 v7, $1.414213540e+00  }
0x30: {  	v11 =	vand.u32 $0x7FFFFF, v15;
	v3 =	vunpack.c.0.s8.s32 v3;
	v7 =	vsel vm2, v8, v7  }
0x31: {  	v21 =	vshrl.u32 v12, $0x17;
	v15 =	vshrl.u32 v15, $0x17;
	v16 =	vadd.f32 $-1.000000000e+00, v7  }
0x32: {  	v11 =	vor.u32 $0x3F800000, v11;
	v3 =	vcombine.low v3, v5;
	v8 =	vimm.s32 $0x87654321  }
0x33: {  	v7 =	vunpack.c.l.s4.s8 v9;
	v8 =	vunpack.c.l.s4.s8 v8;
	v5 =	vadd.f32 $2.000000000e+00, v16  }
0x34: {  	v6 =	vimm.s32 $0xF;
	vm7 =	vgt.f32 v11, $1.414213540e+00;
	v9 =	vmul.f32 $5.000000000e-01, v11  }
0x35: {  	v7 =	vunpack.c.0.s8.s32 v7;
	v8 =	vunpack.c.0.s8.s32 v8;
	(erf) = vrcp.f32 v5  }
0x36: {  	v51 =	vperm.xlane v14, v1;
	v28 =	vperm.xlane v14, v6;
	v9 =	vsel vm7, v9, v11  }
0x37: {  	v17 =	vadd.f32 $-1.000000000e+00, v9;
	v7 =	vcombine.low v8, v7;
	v8 =	vimm.s32 $0xBA987654  }
0x38: {  	v22 =	vsel vm2, $0x1, v0;
	v9 =	vimm.s32 $0xE40000;
	v18 =	vunpack.c.l.s4.s8 v8  }
0x39: {  	vm2 =	vmmov $0xff;
	v9 =	vunpack.c.l.s2.s4 v9;
	v11 =	vadd.f32 $2.000000000e+00, v17  }
0x3a: {  	v31 =	vperm.xlane v14, v3;
	v5 =	vsel vm4, $0xE, v6;
	v18 =	vunpack.c.0.s8.s32 v18  }
0x3b: {  	v8 =	vlaneseq.u32;
	v19 =	vunpack.c.l.s4.s8 v9;
	(erf) = vrcp.f32 v11  }
0x3c: {  	v25 =	vperm.xlane v14, v5;
	v26 =	vperm.xlane v10, v5;
	v18 =	vand.u32 $0xF, v18  }
0x3d: {  	v19 =	vunpack.c.0.s8.s32 v19;
	v13 =	vcombine.low v13, v18;
	v18 =	vimm.s32 $0x7060504  }
0x3e: {  	v10 =	vperm.xlane v10, v6;
	v7 =	vand.u32 $0xF, v7;
	v18 =	vunpack.c.0.s8.s32 v18;
	v20 =	vpop (erf)  }
0x3f: {  	v9 =	vadd.s32 $0xFFFFFFFF, v8;
	v19 =	vand.u32 $0x3, v19;
	v16 =	vmul.f32 v20, v16  }
0x40: {  	v33 =	vor.u32 s2, v8;
	v11 =	vadd.s32 $0xFFFFFFFE, v8;
	v12 =	vsel vm3, v18, v19  }
0x41: {  	s31 =	simm.s32 $0x10;
	v19 =	vadd.s32 v22, v21;
	v20 =	vsel vm7, $0x1, v0;
	v21 =	vmul.f32 v16, v16  }
0x42: {  	v27 =	vadd.s32 s2, v9;
	v32 =	vperm.xlane v14, v7;
	v18 =	vadd.s32 s31, v9  }
0x43: {  	v26 =	vsel vm1, v26, v31;
	v22 =	vcvt.s32.f32 v18;
	v23 =	vmul.f32 $1.428571490e-01, v21  }
0x44: {  	v52 =	vsel vm5, v10, v51;
	v53 =	vperm.xlane v33, v1;
	v15 =	vadd.s32 v20, v15;
	v20 =	vpop (erf)  }
0x45: {  	v17 =	vmul.f32 v20, v17;
	v20 =	vmul.f32 $1.570796370e+00, v22;
	v22 =	vadd.f32 $2.000000030e-01, v23  }
0x46: {  	v57 =	vcvt.s32.f32 v33;
	v24 =	vadd.s32 s31, v11;
	v29 =	vadd.s32 s2, v11  }
0x47: {  	v26 =	vsub.f32 v14, v26;
	vm8 =	vle.f32 v52, $1.000000010e-10;
	v22 =	vmul.f32 v22, v21  }
0x48: {  	vm9 =	vlt.u32 v29, $0x3FF;
	v29 =	vcvt.s32.f32 v27;
	v23 =	vmul.f32 v17, v17  }
0x49: {  	vm10 =	vge.s32 v53, v33;
	v26 =	vmul.f32 $7.329356070e-01, v26;
	v22 =	vadd.f32 $3.333333430e-01, v22  }
0x4a: {  	v29 =	vmul.f32 $1.570796370e+00, v29;
	v19 =	vadd.s32 $0xFFFFFF81, v19;
	v30 =	vmul.f32 $1.428571490e-01, v23  }
0x4b: {  	vm7 =	vgt.f32 v14, $1.000000010e-10;
	v16 =	vadd.f32 v16, v16;
	v21 =	vmul.f32 v22, v21  }
0x4c: {  	v19 =	vcvt.s32.f32 v19;
	vm7 =	vmneg vm7;
	v30 =	vadd.f32 $2.000000030e-01, v30  }
0x4d: {  	v15 =	vadd.s32 $0xFFFFFF81, v15;
	v14 =	vsel vm7, $0xFF7FC99E, v14;
	v21 =	vmul.f32 v21, v16  }
0x4e: {  	vm8 =	vmor vm7, vm8;
	v15 =	vcvt.s32.f32 v15;
	v30 =	vmul.f32 v30, v23  }
0x4f: {  	v19 =	vmul.f32 $6.931471820e-01, v19;
	v39 =	vsel vm8, $0x1, v0;
	v16 =	vadd.f32 v21, v16  }
0x50: {  	v15 =	vmul.f32 $6.931471820e-01, v15;
	v22 =	vor.u32 s31, v8;
	v21 =	vadd.f32 $3.333333430e-01, v30  }
0x51: {  	v54 =	vcvt.s32.f32 v22;
	v10 =	vadd.f32 v16, v19;
	v16 =	vperm.xlane v14, v1  }
0x52: {  	v17 =	vadd.f32 v17, v17;
	v19 =	vperm.xlane v22, v1;
	v21 =	vmul.f32 v21, v23  }
0x53: {  	v34 =	vperm.xlane v10, v1;
	vm7 =	vgt.f32 v10, $1.000000010e-10;
	v35 =	vperm.xlane v10, v7  }
0x54: {  	vm12 =	vge.s32 v19, v22;
	v37 =	vperm.xlane v10, v0;
	v40 =	vperm.xlane v10, v3  }
0x55: {  	v21 =	vmul.f32 v21, v17;
	vm11 =	vmneg vm7;
	vm7 =	veq.s32 v8, $0x0  }
0x56: {  	v28 =	vsel vm5, v28, v34;
	v36 =	vsel vm11, $0xFF7FC99E, v10;
	v16 =	vsel vm7, $0xFF7FC99E, v16  }
0x57: {  	v25 =	vsel vm1, v25, v40;
	v17 =	vadd.f32 v21, v17;
	v38 =	vperm.xlane v36, v1  }
0x58: {  	v21 =	vmul.f32 $1.570796370e+00, v54;
	vm13 =	vle.f32 v28, $1.000000010e-10;
	v25 =	vsub.f32 v10, v25  }
0x59: {  	vm11 =	vmor vm11, vm13;
	vm13 =	vne.f32 v16, v14;
	v38 =	vsel vm7, $0xFF7FC99E, v38  }
0x5a: {  	v41 =	vsel vm11, $0x1, v0;
	vm14 =	vgt.f32 v38, v36;
	vm15 =	vne.f32 v38, v36  }
0x5b: {  	vm10 =	vmor vm13, vm10;
	vm13 =	vmneg vm14;
	vm12 =	vmor vm15, vm12  }
0x5c: {  	v25 =	vmul.f32 $7.329356070e-01, v25;
	vm14 =	vgt.f32 v16, v14;
	vm12 =	vmand vm13, vm12  }
0x5d: {  	v42 =	vperm.xlane v41, v1;
	vm13 =	vmneg vm14;
	vm11 =	vmor vm11, vm12  }
0x5e: {  	v20 =	vadd.f32 v25, v20;
	vm10 =	vmand vm13, vm10;
	v36 =	vsel vm11, v36, v38  }
0x5f: {  	v19 =	vsel vm11, v22, v19;
	v22 =	vsel vm6, v32, v37;
	vm8 =	vmor vm8, vm10  }
0x60: {  	v55 =	vperm.xlane v36, v3;
	v16 =	vsel vm8, v14, v16;
	v23 =	vsel vm8, v33, v53  }
0x61: {  	v14 =	vadd.f32 v26, v29;
	v22 =	vsub.f32 v22, v52;
	v26 =	vperm.xlane v39, v1  }
0x62: {  	vm8 =	vlt.u32 v27, $0x3FF;
	v61 =	vperm.xlane v19, v3;
	v27 =	vperm.xlane v16, v3  }
0x63: {  	v29 =	vnsel vm9, $0x0, v14;
	v14 =	vsel vm7, $0x0, v42;
	v22 =	vmul.f32 $7.329356070e-01, v22  }
0x64: {  	vm9 =	vlt.u32 v18, $0x3FF;
	vm13 =	vlt.s32 v61, v19;
	v56 =	vor.u32 v41, v14  }
0x65: {  	v18 =	vsel vm1, $0xFF7FC99E, v27;
	v27 =	vperm.xlane v23, v3;
	v14 =	vadd.f32 v17, v15  }
0x66: {  	v15 =	vmul.f32 $1.570796370e+00, v57;
	v17 =	vsel vm7, $0x0, v26;
	v26 =	vperm.xlane v56, v3  }
0x67: {  	vm10 =	veq.f32 v18, v16;
	v17 =	vor.u32 v39, v17;
	vm12 =	vgt.f32 v18, v16  }
0x68: {  	vm11 =	vlt.s32 v27, v23;
	v58 =	vperm.xlane v14, v0;
	v59 =	vperm.xlane v17, v3  }
0x69: {  	v15 =	vadd.f32 v22, v15;
	vm10 =	vmand vm10, vm11;
	v26 =	vsel vm1, $0x0, v26  }
0x6a: {  	vm11 =	veq.s32 v17, $0x0;
	v31 =	vsel vm6, v35, v58;
	v26 =	vor.u32 v56, v26  }
0x6b: {  	vm10 =	vmor vm12, vm10;
	v33 =	vsel vm1, $0x0, v59;
	vm12 =	vlt.u32 v24, $0x3FF  }
0x6c: {  	v15 =	vnsel vm8, $0x0, v15;
	v28 =	vsub.f32 v31, v28;
	v60 =	vperm.xlane v26, v13  }
0x6d: {  	vm10 =	vmand vm11, vm10;
	vm11 =	veq.s32 v56, $0x0;
	v17 =	vor.u32 v17, v33  }
0x6e: {  	v20 =	vnsel vm12, $0x0, v20;
	v15 =	vadd.f32 v15, v29;
	v25 =	vsel vm10, v18, v16  }
0x6f: {  	v23 =	vsel vm10, v27, v23;
	vm10 =	veq.s32 v17, $0x0;
	v16 =	vmul.f32 $7.329356070e-01, v28  }
0x70: {  	v18 =	vperm.xlane v25, v13;
	v28 =	vsel vm1, $0xFF7FC99E, v55;
	v24 =	vperm.xlane v23, v13  }
0x71: {  	vm14 =	veq.f32 v28, v36;
	vm12 =	vgt.f32 v28, v36;
	v16 =	vadd.f32 v16, v21  }
0x72: {  	v22 =	vsel vm0, $0xFF7FC99E, v18;
	v18 =	vperm.xlane v17, v13;
	vm13 =	vmand vm14, vm13  }
0x73: {  	v21 =	vsel vm0, $0x0, v60;
	vm12 =	vmor vm12, vm13;
	v16 =	vnsel vm9, $0x0, v16  }
0x74: {  	vm9 =	vgt.f32 v22, v25;
	v18 =	vsel vm0, $0x0, v18;
	vm11 =	vmand vm11, vm12  }
0x75: {  	vm12 =	veq.f32 v22, v25;
	v20 =	vadd.f32 v16, v20;
	v16 =	vor.u32 v26, v21  }
0x76: {  	v27 =	vor.u32 v17, v18;
	v28 =	vsel vm11, v28, v36;
	v18 =	vsel vm11, v61, v19  }
0x77: {  	vm11 =	vlt.s32 v24, v23;
	v62 =	vperm.xlane v16, v12;
	v17 =	vperm.xlane v28, v13  }
0x78: {  	v21 =	vperm.xlane v18, v13;
	vm11 =	vmand vm12, vm11;
	v19 =	vperm.xlane v27, v12  }
0x79: {  	vm8 =	veq.s32 v27, $0x0;
	v20 =	vmul.f32 $5.000000000e-01, v20;
	vm9 =	vmor vm9, vm11  }
0x7a: {  	vm11 =	veq.s32 v26, $0x0;
	v26 =	vmov s2;
	v63 =	vsel vm0, $0xFF7FC99E, v17  }
0x7b: {  	vm9 =	vmand vm10, vm9;
	v19 =	vsel vm2, $0x0, v19;
	vm12 =	vlt.s32 v21, v18  }
0x7c: {  	vm10 =	veq.f32 v63, v28;
	v22 =	vsel vm9, v22, v25;
	v23 =	vsel vm9, v24, v23  }
0x7d: {  	vm9 =	vgt.f32 v63, v28;
	v27 =	vor.u32 v27, v19;
	v17 =	vperm.xlane v22, v12  }
0x7e: {  	v24 =	vperm.xlane v23, v12;
	vm12 =	vmand vm10, vm12;
	vm10 =	veq.s32 v26, v8  }
0x7f: {  	s6 =	simm.s32 $0x4B0;
	s4 =	simm.s32 $0xD90;
	s7 =	simm.s32 $0x0;
	v26 =	vsel vm2, $0x0, v62;
	vm9 =	vmor vm9, vm12;
	v25 =	vsel vm2, $0xFF7FC99E, v17  }
0x80: {  	s8 =	simm.s32 $0xDB0;
	s9 =	simm.s32 $0x1230;
	s10 =	simm.s32 $0x20;
	v17 =	vmul.f32 $5.000000000e-01, v15;
	vm14 =	vlt.s32 v24, v23;
	vm13 =	veq.f32 v25, v22  }
0x81: {  	s11 =	simm.s32 $0x40;
	s12 =	simm.s32 $0x930;
	s5 =	simm.s32 $0x4B0;
	vm9 =	vmand vm11, vm9;
	vm15 =	vgt.f32 v25, v22;
	vm12 =	vmand vm13, vm14  }
0x82: {  	s1 =	sadd.s32 $0x200, s1;
	s3 =	simm.s32 $0x910;
	s2 =	simm.s32 $0x1210;
	v15 =	vimm.s32 $0x0;
	v19 =	vsel vm9, v63, v28;
	vm11 =	vmor vm15, vm12  }
.LBB2_2:
0x83: {  	v28 =	vld [tilespmem:s11+$0xFFFFFFF0];
	s13 =	sadd.s32 $0x10, s10;
	s7 =	sadd.s32 $0x2, s7;
	v29 =	vsel vm10, $0x0, v17;
	vm8 =	vmand vm8, vm11;
	v26 =	vor.u32 v16, v26;
	s6 =	sadd.s32 $0x20, s6  }
0x84: {  	v30 =	vld [tilespmem:s11+$0x0];
	v17 =	vadd.s32 s13, v9;
	p0 =	slt.u32 s7, $0x3E;
	v22 =	vsel vm8, v25, v22;
	v23 =	vsel vm8, v24, v23  }
0x85: {  	vm10 =	veq.s32 v27, $0x0;
	vm8 =	veq.s32 v16, $0x0;
	vm11 =	veq.f32 v4, v22;
	(xrf2) =	vadd.scan.msk.f32 $0xffff, v29  }
0x86: {  	v18 =	vsel vm9, v21, v18;
	v16 =	vadd.s32 s13, v11;
	v24 =	vcvt.s32.f32 v17  }
0x87: {  	v21 =	vperm.xlane v19, v12;
	v25 =	vperm.xlane v18, v12;
	vm12 =	vgt.f32 v4, v22  }
0x88: {  	vm9 =	vlt.s32 v15, v23;
	v27 =	vshrl.u32 v28, $0x17;
	v28 =	vand.u32 $0x7FFFFF, v28  }
0x89: {  	v21 =	vsel vm2, $0xFF7FC99E, v21;
	v28 =	vor.u32 $0x3F800000, v28;
	v29 =	vand.u32 $0x7FFFFF, v30  }
0x8a: {  	vm11 =	vmand vm11, vm9;
	vm13 =	vgt.f32 v28, $1.414213540e+00;
	v31 =	vmul.f32 $5.000000000e-01, v28;
	(xrf2) =	vadd.scan.msk.f32 $0xffff, v20  }
0x8b: {  	vm14 =	veq.f32 v21, v19;
	v29 =	vor.u32 $0x3F800000, v29;
	v20 =	vsel vm13, $0x1, v0  }
0x8c: {  	vm9 =	vgt.f32 v21, v19;
	v20 =	vadd.s32 v20, v27;
	v27 =	vsel vm13, v31, v28  }
0x8d: {  	vm11 =	vmor vm12, vm11;
	v28 =	vmul.f32 $5.000000000e-01, v29;
	v27 =	vadd.f32 $-1.000000000e+00, v27  }
0x8e: {  	vm12 =	vgt.f32 v29, $1.414213540e+00;
	vm13 =	vlt.s32 v25, v18;
	v20 =	vadd.s32 $0xFFFFFF81, v20  }
0x8f: {  	vm10 =	vmand vm10, vm11;
	v20 =	vcvt.s32.f32 v20;
	v31 =	vadd.f32 $2.000000000e+00, v27;
	v32, _, _ =	vpop (xrf2)  }
0x90: {  	vm11 =	vmand vm14, vm13;
	v28 =	vsel vm12, v28, v29;
	v2 =	vadd.f32 v32, v2  }
0x91: {  	v4 =	vsel vm10, v4, v22;
	v28 =	vadd.f32 $-1.000000000e+00, v28;
	(erf) = vrcp.f32 v31;
	[tilespmem:s5+$0xFFFFFFF0] =	vst v10  }
0x92: {  	v22 =	vshrl.u32 v30, $0x17;
	v15 =	vsel vm10, v15, v23;
	v30 =	vsel vm12, $0x1, v0;
	[tilespmem:s3+$0xFFFFFFF0] =	vst v2  }
0x93: {  	v22 =	vadd.s32 v30, v22;
	v23 =	vadd.f32 $2.000000000e+00, v28;
	v2 =	vperm.xlane v2, v6;
	[tilespmem:s4+$0xFFFFFFF0] =	vst v4  }
0x94: {  	v22 =	vadd.s32 $0xFFFFFF81, v22;
	[tilespmem:s2+$0xFFFFFFF0] =	vst v15;
	v15 =	vperm.xlane v15, v6;
	v29, _, _ =	vpop (xrf2)  }
0x95: {  	vm9 =	vmor vm9, vm11;
	(erf) = vrcp.f32 v23;
	v23 =	vadd.f32 v29, v2  }
0x96: {  	vm8 =	vmand vm8, vm9;
	v4 =	vperm.xlane v4, v6  }
0x97: {  	v22 =	vcvt.s32.f32 v22;
	v19 =	vsel vm8, v21, v19;
	v18 =	vsel vm8, v25, v18  }
0x98: {  	vm8 =	veq.s32 v26, $0x0;
	vm9 =	veq.f32 v4, v19;
	v2 =	vperm.xlane v23, v6  }
0x99: {  	vm10 =	vlt.s32 v15, v18  }
0x9a: {  	vm11 =	vgt.f32 v4, v19;
	vm9 =	vmand vm9, vm10;
	v21 =	vpop (erf)  }
0x9b: {  	vm9 =	vmor vm11, vm9;
	v21 =	vmul.f32 v21, v27  }
0x9c: {  	vm8 =	vmand vm8, vm9;
	[tilespmem:s5+$0x0] =	vst v14;
	s5 =	smov.u32 s6  }
0x9d: {  	v4 =	vsel vm8, v4, v19;
	v18 =	vsel vm8, v15, v18;
	v25 =	vmul.f32 v21, v21;
	[tilespmem:s3+$0x0] =	vst v23;
	s3 =	smov.u32 s12  }
0x9e: {  	v15 =	vperm.xlane v18, v6;
	v19 =	vpop (erf);
	[tilespmem:s4+$0x0] =	vst v4;
	v4 =	vperm.xlane v4, v6;
	s4 =	smov.u32 s8  }
0x9f: {  	v23 =	vmul.f32 $1.428571490e-01, v25;
	v19 =	vmul.f32 v19, v28;
	[tilespmem:s2+$0x0] =	vst v18;
	s2 =	smov.u32 s9  }
0xa0: {  	v18 =	vmul.f32 $1.570796370e+00, v24  }
0xa1: {  	v26 =	vperm.xlane v14, v5;
	v23 =	vadd.f32 $2.000000030e-01, v23;
	v24 =	vmul.f32 v19, v19  }
0xa2: {  	v29 =	vperm.xlane v14, v6;
	v27 =	vperm.xlane v10, v5;
	v28 =	vadd.s32 s10, v9  }
0xa3: {  	v30 =	vadd.s32 s10, v11;
	v23 =	vmul.f32 v23, v25;
	v31 =	vmul.f32 $1.428571490e-01, v24  }
0xa4: {  	v33 =	vperm.xlane v14, v7;
	v32 =	vperm.xlane v14, v3;
	vm9 =	vlt.u32 v30, $0x3FF  }
0xa5: {  	v30 =	vcvt.s32.f32 v28;
	v23 =	vadd.f32 $3.333333430e-01, v23;
	v31 =	vadd.f32 $2.000000030e-01, v31  }
0xa6: {  	v10 =	vperm.xlane v10, v6;
	v27 =	vsel vm1, v27, v32;
	v32 =	vor.u32 s13, v8  }
0xa7: {  	v21 =	vadd.f32 v21, v21;
	v23 =	vmul.f32 v23, v25;
	v25 =	vmul.f32 $1.570796370e+00, v30  }
0xa8: {  	vm8 =	vgt.f32 v14, $1.000000010e-10;
	v27 =	vsub.f32 v14, v27;
	v30 =	vperm.xlane v14, v1  }
0xa9: {  	vm8 =	vmneg vm8;
	v31 =	vmul.f32 v31, v24;
	v23 =	vmul.f32 v23, v21  }
0xaa: {  	v34 =	vor.u32 s10, v8;
	v27 =	vmul.f32 $7.329356070e-01, v27;
	v14 =	vsel vm8, $0xFF7FC99E, v14  }
0xab: {  	v20 =	vmul.f32 $6.931471820e-01, v20;
	v21 =	vadd.f32 v23, v21;
	v23 =	vadd.f32 $3.333333430e-01, v31  }
0xac: {  	v19 =	vadd.f32 v19, v19;
	v30 =	vsel vm5, v10, v30;
	v31 =	vperm.xlane v34, v1  }
0xad: {  	v10 =	vadd.f32 v21, v20;
	v20 =	vperm.xlane v14, v1;
	v21 =	vmul.f32 $6.931471820e-01, v22  }
0xae: {  	vm10 =	vle.f32 v30, $1.000000010e-10;
	vm11 =	vge.s32 v31, v34;
	v22 =	vperm.xlane v32, v1  }
0xaf: {  	vm8 =	vmor vm8, vm10;
	v35 =	vperm.xlane v10, v1;
	vm10 =	vgt.f32 v10, $1.000000010e-10  }
0xb0: {  	v36 =	vperm.xlane v10, v7;
	vm12 =	vge.s32 v22, v32;
	vm10 =	vmneg vm10  }
0xb1: {  	v29 =	vsel vm5, v29, v35;
	v35 =	vcvt.s32.f32 v32;
	v37 =	vsel vm10, $0xFF7FC99E, v10  }
0xb2: {  	v38 =	vperm.xlane v10, v0;
	vm13 =	vle.f32 v29, $1.000000010e-10;
	v39 =	vperm.xlane v37, v1  }
0xb3: {  	v40 =	vsel vm8, $0x1, v0;
	v41 =	vperm.xlane v10, v3;
	vm10 =	vmor vm10, vm13  }
0xb4: {  	v20 =	vsel vm7, $0xFF7FC99E, v20;
	v42 =	vsel vm10, $0x1, v0;
	v39 =	vsel vm7, $0xFF7FC99E, v39  }
0xb5: {  	vm13 =	vne.f32 v20, v14;
	vm14 =	vgt.f32 v39, v37;
	vm15 =	vne.f32 v39, v37  }
0xb6: {  	vm11 =	vmor vm13, vm11;
	vm13 =	vmneg vm14;
	vm12 =	vmor vm15, vm12  }
0xb7: {  	v43 =	vperm.xlane v42, v1;
	vm14 =	vgt.f32 v20, v14;
	vm12 =	vmand vm13, vm12  }
0xb8: {  	v26 =	vsel vm1, v26, v41;
	vm13 =	vmneg vm14;
	vm10 =	vmor vm10, vm12  }
0xb9: {  	vm11 =	vmand vm13, vm11;
	v37 =	vsel vm10, v37, v39;
	v22 =	vsel vm10, v32, v22  }
0xba: {  	v32 =	vsel vm6, v33, v38;
	vm8 =	vmor vm8, vm11;
	v33 =	vperm.xlane v37, v3  }
0xbb: {  	v20 =	vsel vm8, v14, v20;
	v31 =	vsel vm8, v34, v31;
	v14 =	vmul.f32 v23, v24  }
0xbc: {  	v23 =	vadd.f32 v27, v25;
	v24 =	vsub.f32 v32, v30;
	v25 =	vperm.xlane v40, v1  }
0xbd: {  	vm8 =	vlt.u32 v28, $0x3FF;
	v27 =	vperm.xlane v20, v3;
	v14 =	vmul.f32 v14, v19  }
0xbe: {  	v28 =	vnsel vm9, $0x0, v23;
	v23 =	vsub.f32 v10, v26;
	v26 =	vsel vm7, $0x0, v43  }
0xbf: {  	v26 =	vor.u32 v42, v26;
	v14 =	vadd.f32 v14, v19;
	v19 =	vmul.f32 $1.570796370e+00, v35  }
0xc0: {  	v30 =	vcvt.s32.f32 v34;
	v24 =	vmul.f32 $7.329356070e-01, v24;
	vm9 =	vlt.u32 v17, $0x3FF  }
0xc1: {  	v17 =	vsel vm1, $0xFF7FC99E, v27;
	v27 =	vperm.xlane v31, v3;
	v14 =	vadd.f32 v14, v21  }
0xc2: {  	v25 =	vsel vm7, $0x0, v25;
	v21 =	vmul.f32 $1.570796370e+00, v30;
	v30 =	vperm.xlane v26, v3  }
0xc3: {  	vm10 =	veq.f32 v17, v20;
	vm11 =	vlt.s32 v27, v31;
	v32 =	vperm.xlane v14, v0  }
0xc4: {  	v25 =	vor.u32 v40, v25;
	v23 =	vmul.f32 $7.329356070e-01, v23;
	vm10 =	vmand vm10, vm11  }
0xc5: {  	vm11 =	veq.s32 v25, $0x0;
	v30 =	vsel vm1, $0x0, v30;
	v32 =	vsel vm6, v36, v32  }
0xc6: {  	v34 =	vperm.xlane v25, v3;
	vm12 =	vgt.f32 v17, v20;
	v30 =	vor.u32 v26, v30  }
0xc7: {  	vm10 =	vmor vm12, vm10;
	v29 =	vsub.f32 v32, v29;
	v32 =	vperm.xlane v30, v13  }
0xc8: {  	v34 =	vsel vm1, $0x0, v34;
	v18 =	vadd.f32 v23, v18;
	vm10 =	vmand vm11, vm10  }
0xc9: {  	vm11 =	veq.s32 v26, $0x0;
	v17 =	vsel vm10, v17, v20;
	v20 =	vmul.f32 $7.329356070e-01, v29  }
0xca: {  	v26 =	vsel vm1, $0xFF7FC99E, v33;
	v23 =	vperm.xlane v17, v13;
	v29 =	vperm.xlane v22, v3  }
0xcb: {  	vm12 =	vlt.u32 v16, $0x3FF;
	v24 =	vadd.f32 v24, v21;
	v16 =	vadd.f32 v20, v19  }
0xcc: {  	v23 =	vsel vm0, $0xFF7FC99E, v23;
	v19 =	vor.u32 v25, v34;
	vm13 =	vlt.s32 v29, v22  }
0xcd: {  	v25 =	vsel vm10, v27, v31;
	vm10 =	veq.s32 v19, $0x0;
	v16 =	vnsel vm9, $0x0, v16  }
0xce: {  	vm14 =	veq.f32 v26, v37;
	v20 =	vperm.xlane v19, v13;
	vm9 =	vgt.f32 v23, v17  }
0xcf: {  	v18 =	vnsel vm12, $0x0, v18;
	vm12 =	vgt.f32 v26, v37;
	v21 =	vsel vm0, $0x0, v32  }
0xd0: {  	vm13 =	vmand vm14, vm13;
	v27 =	vadd.f32 v16, v18;
	v16 =	vor.u32 v30, v21  }
0xd1: {  	v31 =	vperm.xlane v25, v13;
	vm12 =	vmor vm12, vm13;
	v18 =	vsel vm0, $0x0, v20  }
0xd2: {  	vm13 =	veq.f32 v23, v17;
	vm11 =	vmand vm11, vm12;
	v19 =	vor.u32 v19, v18  }
0xd3: {  	v26 =	vsel vm11, v26, v37;
	v18 =	vsel vm11, v29, v22;
	v29 =	vperm.xlane v16, v12  }
0xd4: {  	vm11 =	vlt.s32 v31, v25;
	v22 =	vperm.xlane v26, v13;
	v21 =	vperm.xlane v18, v13  }
0xd5: {  	vm11 =	vmand vm13, vm11;
	v32 =	vperm.xlane v19, v12;
	v20 =	vmul.f32 $5.000000000e-01, v27  }
0xd6: {  	vm9 =	vmor vm9, vm11;
	vm11 =	veq.s32 v30, $0x0;
	v33 =	vsel vm0, $0xFF7FC99E, v22  }
0xd7: {  	v24 =	vnsel vm8, $0x0, v24;
	vm8 =	vmand vm10, vm9;
	vm9 =	veq.f32 v33, v26  }
0xd8: {  	v22 =	vsel vm8, v23, v17;
	v23 =	vsel vm8, v31, v25;
	vm12 =	vgt.f32 v33, v26  }
0xd9: {  	v17 =	vadd.f32 v24, v28;
	vm8 =	veq.s32 v19, $0x0;
	v25 =	vperm.xlane v22, v12  }
0xda: {  	v27 =	vmov s10;
	v28 =	vsel vm2, $0x0, v32;
	v24 =	vperm.xlane v23, v12  }
.Ltmp0:
0xdb: {  	vm10 =	vlt.s32 v21, v18;
	v17 =	vmul.f32 $5.000000000e-01, v17;
	v25 =	vsel vm2, $0xFF7FC99E, v25;
	(pc) =	sbr.rel @p0 .LBB2_2-.Ltmp0, $4  }
0xdc: {  	vm9 =	vmand vm9, vm10;
	vm14 =	vlt.s32 v24, v23;
	vm13 =	veq.f32 v25, v22  }
0xdd: {  	vm10 =	veq.s32 v27, v8;
	vm9 =	vmor vm12, vm9;
	vm15 =	vgt.f32 v25, v22  }
0xde: {  	s8 =	sadd.s32 $0x20, s8;
	s9 =	sadd.s32 $0x20, s9;
	v27 =	vor.u32 v19, v28;
	vm9 =	vmand vm11, vm9;
	vm12 =	vmand vm13, vm14  }
0xdf: {  	s11 =	sadd.s32 $0x20, s11;
	s12 =	sadd.s32 $0x20, s12;
	s10 =	sadd.s32 $0x20, s10;
	v19 =	vsel vm9, v33, v26;
	v26 =	vsel vm2, $0x0, v29;
	vm11 =	vmor vm15, vm12  }
0xe0: {  	v0 =	vsel vm10, $0x0, v17  }
0xe1: {  	(xrf2) =	vadd.scan.msk.f32 $0xffff, v0;
	_ =	sdelay $0x2  }
0xe2: {  	vm6 =	vmand vm8, vm11;
	v3 =	vperm.xlane v19, v12  }
0xe3: {  	vm8 =	veq.s32 v16, $0x0;
	v0 =	vsel vm6, v25, v22;
	v1 =	vsel vm6, v24, v23;
	(xrf2) =	vadd.scan.msk.f32 $0xffff, v20  }
0xe4: {  	v5 =	vsel vm9, v21, v18;
	vm7 =	veq.f32 v4, v0;
	vm9 =	vlt.s32 v15, v1  }
0xe5: {  	v7 =	vperm.xlane v5, v12;
	vm10 =	vgt.f32 v4, v0;
	vm7 =	vmand vm7, vm9  }
0xe6: {  	vm6 =	veq.s32 v27, $0x0;
	v3 =	vsel vm2, $0xFF7FC99E, v3;
	vm7 =	vmor vm10, vm7  }
0xe7: {  	vm9 =	veq.f32 v3, v19;
	vm10 =	vlt.s32 v7, v5;
	vm6 =	vmand vm6, vm7  }
0xe8: {  	vm11 =	vgt.f32 v3, v19;
	vm7 =	vmand vm9, vm10;
	v1 =	vsel vm6, v15, v1  }
0xe9: {  	v0 =	vsel vm6, v4, v0;
	vm6 =	vmor vm11, vm7;
	v4 =	vperm.xlane v1, v6;
	v8, _, _ =	vpop (xrf2)  }
0xea: {  	vm6 =	vmand vm8, vm6;
	v2 =	vadd.f32 v8, v2;
	v8 =	vperm.xlane v0, v6  }
0xeb: {  	[tilespmem:s5+$0xFFFFFFF0] =	vst v10;
	v3 =	vsel vm6, v3, v19;
	v5 =	vsel vm6, v7, v5  }
0xec: {  	vm7 =	vlt.s32 v4, v5;
	[tilespmem:s3+$0xFFFFFFF0] =	vst v2;
	v2 =	vperm.xlane v2, v6;
	vm6 =	veq.f32 v8, v3  }
0xed: {  	v7 =	vor.u32 v16, v26;
	vm8 =	vgt.f32 v8, v3;
	[tilespmem:s4+$0xFFFFFFF0] =	vst v0;
	v0, _, _ =	vpop (xrf2);
	vm6 =	vmand vm6, vm7  }
0xee: {  	[tilespmem:s5+$0x0] =	vst v14;
	vm7 =	veq.s32 v7, $0x0;
	v0 =	vadd.f32 v0, v2;
	vm6 =	vmor vm8, vm6  }
0xef: {  	[tilespmem:s2+$0xFFFFFFF0] =	vst v1;
	vm6 =	vmand vm7, vm6  }
0xf0: {  	[tilespmem:s3+$0x0] =	vst v0;
	v3 =	vsel vm6, v8, v3  }
0xf1: {  	v8 =	vsel vm6, v4, v5;
	[tilespmem:s4+$0x0] =	vst v3  }
0xf2: {  	[tilespmem:s2+$0x0] =	vst v8  }
0xf3: {  	v2 =	vld [tilespmem:$0x410];
	_ =	sdelay $0x4  }
0xf4: {  	v1 =	vand.u32 $0x7FFFFF, v2  }
0xf5: {  	v1 =	vor.u32 $0x3F800000, v1  }
0xf6: {  	v4 =	vmul.f32 $5.000000000e-01, v1  }
0xf7: {  	vm6 =	vgt.f32 v1, $1.414213540e+00  }
0xf8: {  	v1 =	vsel vm6, v4, v1  }
0xf9: {  	v1 =	vadd.f32 $-1.000000000e+00, v1;
	_ =	sdelay $0x1  }
0xfa: {  	v4 =	vadd.f32 $2.000000000e+00, v1;
	_ =	sdelay $0x1  }
0xfb: {  	(erf) = vrcp.f32 v4;
	_ =	sdelay $0x8  }
0xfc: {  	v5 =	vimm.s32 $0xEDCBA987;
	v4 =	vpop (erf)  }
0xfd: {  	v7 =	vmul.f32 v4, v1;
	v1 =	vimm.s32 $0x65432100;
	v4 =	vunpack.c.l.s4.s8 v5  }
0xfe: {  	v16 =	vimm.s32 $0xDCBA9876;
	v9 =	vperm.xlane v0, v6;
	v1 =	vunpack.c.l.s4.s8 v1  }
0xff: {  	v11 =	vperm.xlane v3, v6;
	v12 =	vmul.f32 v7, v7;
	v4 =	vunpack.c.0.s8.s32 v4  }
0x100: {  	v13 =	vshrl.u32 v2, $0x17;
	v0 =	vunpack.c.0.s8.s32 v1;
	v1 =	vimm.s32 $0x0  }
0x101: {  	v5 =	vmul.f32 $1.428571490e-01, v12;
	v4 =	vand.u32 $0xF, v4;
	v15 =	vsel vm6, $0x1, v1  }
0x102: {  	vm6 =	vgt.f32 v14, $1.000000010e-10;
	v2 =	vcombine.low v0, v4;
	v3 =	vadd.s32 v15, v13  }
0x103: {  	v0 =	vimm.s32 $0xF;
	v13 =	vimm.s32 $0x54321000;
	vm6 =	vmneg vm6  }
0x104: {  	v4 =	vadd.f32 $2.000000030e-01, v5;
	v15 =	vperm.xlane v10, v0;
	v17 =	vadd.s32 $0xFFFFFF81, v3  }
0x105: {  	v3 =	vunpack.c.l.s4.s8 v16;
	v16 =	vsel vm6, $0xFF7FC99E, v14;
	v5 =	vperm.xlane v14, v2  }
0x106: {  	v13 =	vunpack.c.l.s4.s8 v13;
	v18 =	vperm.xlane v16, v2;
	v4 =	vmul.f32 v4, v12  }
0x107: {  	v5 =	vsel vm5, v15, v5;
	v15 =	vunpack.c.0.s8.s32 v3;
	v3 =	vsel vm4, $0xE, v0  }
0x108: {  	v13 =	vunpack.c.0.s8.s32 v13;
	v10 =	vperm.xlane v10, v3;
	v3 =	vlaneseq.u32  }
0x109: {  	vm7 =	vle.f32 v5, $1.000000010e-10;
	v15 =	vand.u32 $0xF, v15;
	v19 =	vor.u32 $0x400, v3  }
0x10a: {  	vm4 =	veq.s32 v3, $0x0;
	vm6 =	vmor vm6, vm7;
	v5 =	vperm.xlane v19, v2  }
0x10b: {  	v10 =	vsub.f32 v14, v10;
	v14 =	vsel vm4, $0xFF7FC99E, v18;
	v18 =	vadd.s32 $0x3FF, v3  }
0x10c: {  	vm7 =	vgt.f32 v14, v16;
	vm8 =	vne.f32 v14, v16;
	vm9 =	vgt.s32 v5, v18  }
0x10d: {  	v18 =	vsel vm6, $0x1, v1;
	vm7 =	vmneg vm7;
	vm8 =	vmor vm8, vm9  }
0x10e: {  	v10 =	vmul.f32 $7.329356070e-01, v10;
	v20 =	vperm.xlane v18, v2;
	vm7 =	vmand vm7, vm8  }
0x10f: {  	v36 =	vadd.f32 $3.333333430e-01, v4;
	v4 =	vcombine.low v13, v15;
	vm6 =	vmor vm6, vm7  }
0x110: {  	v10 =	vadd.f32 $1.606924680e+03, v10;
	v13 =	vsel vm4, $0x0, v20;
	v14 =	vsel vm6, v16, v14  }
0x111: {  	v15 =	vsel vm6, v19, v5;
	v16 =	vimm.s32 $0xBA987654;
	v5 =	vperm.xlane v14, v4  }
0x112: {  	v20 =	vimm.s32 $0x32100000;
	v19 =	vperm.xlane v15, v4;
	v16 =	vunpack.c.l.s4.s8 v16  }
0x113: {  	v13 =	vor.u32 v18, v13;
	v18 =	vsel vm1, $0xFF7FC99E, v5;
	v5 =	vunpack.c.l.s4.s8 v20  }
0x114: {  	vm7 =	vlt.s32 v19, v15;
	v16 =	vunpack.c.0.s8.s32 v16;
	vm6 =	veq.f32 v18, v14  }
0x115: {  	vm8 =	vgt.f32 v18, v14;
	vm6 =	vmand vm6, vm7;
	v5 =	vunpack.c.0.s8.s32 v5  }
0x116: {  	vm7 =	veq.s32 v13, $0x0;
	v16 =	vand.u32 $0xF, v16;
	vm6 =	vmor vm8, vm6  }
0x117: {  	v10 =	vnsel vm5, $0x0, v10;
	vm5 =	vmand vm7, vm6;
	v5 =	vcombine.low v5, v16  }
0x118: {  	v16 =	vperm.xlane v13, v4;
	v14 =	vsel vm5, v18, v14;
	v18 =	vimm.s32 $0xE40000  }
0x119: {  	v15 =	vsel vm5, v19, v15;
	v19 =	vperm.xlane v14, v5;
	v18 =	vunpack.c.l.s2.s4 v18  }
0x11a: {  	v10 =	vmul.f32 $5.000000000e-01, v10;
	v16 =	vsel vm1, $0x0, v16;
	v20 =	vperm.xlane v15, v5  }
0x11b: {  	v13 =	vor.u32 v13, v16;
	v16 =	vsel vm0, $0xFF7FC99E, v19;
	v18 =	vunpack.c.l.s4.s8 v18  }
0x11c: {  	vm7 =	vlt.s32 v20, v15;
	v19 =	vimm.s32 $0x7060504;
	vm6 =	veq.f32 v16, v14  }
0x11d: {  	vm5 =	vgt.f32 v16, v14;
	vm6 =	vmand vm6, vm7;
	v18 =	vunpack.c.0.s8.s32 v18  }
0x11e: {  	v19 =	vunpack.c.0.s8.s32 v19;
	vm7 =	veq.s32 v13, $0x0;
	vm5 =	vmor vm5, vm6  }
0x11f: {  	v37 =	vadd.f32 v7, v7;
	vm5 =	vmand vm7, vm5;
	v18 =	vand.u32 $0x3, v18  }
0x120: {  	v17 =	vcvt.s32.f32 v17;
	(xrf2) =	vadd.scan.msk.f32 $0xffff, v10;
	v10 =	vsel vm5, v16, v14;
	v7 =	vsel vm3, v19, v18  }
0x121: {  	v12 =	vmul.f32 v36, v12;
	v14 =	vsel vm5, v20, v15;
	v15 =	vperm.xlane v10, v7  }
0x122: {  	v16 =	vperm.xlane v13, v5;
	v18 =	vperm.xlane v14, v7  }
0x123: {  	v17 =	vmul.f32 $6.931471820e-01, v17;
	v12 =	vmul.f32 v12, v37;
	v15 =	vsel vm2, $0xFF7FC99E, v15  }
0x124: {  	v16 =	vsel vm0, $0x0, v16;
	vm6 =	vlt.s32 v18, v14;
	vm5 =	veq.f32 v15, v10  }
0x125: {  	v13 =	vor.u32 v13, v16;
	vm7 =	vgt.f32 v15, v10;
	vm5 =	vmand vm5, vm6  }
0x126: {  	v12 =	vadd.f32 v12, v37;
	vm6 =	veq.s32 v13, $0x0;
	vm5 =	vmor vm7, vm5  }
0x127: {  	v6 =	vperm.xlane v8, v6;
	v8 =	vperm.xlane v13, v7;
	vm5 =	vmand vm6, vm5  }
0x128: {  	v12 =	vadd.f32 v12, v17;
	v10 =	vsel vm5, v15, v10;
	v14 =	vsel vm5, v18, v14  }
0x129: {  	v8 =	vsel vm2, $0x0, v8;
	vm5 =	veq.f32 v11, v10;
	vm6 =	vlt.s32 v6, v14  }
0x12a: {  	v8 =	vor.u32 v13, v8;
	v15, _, _ =	vpop (xrf2);
	vm7 =	vgt.f32 v11, v10;
	vm5 =	vmand vm5, vm6  }
0x12b: {  	v9 =	vadd.f32 v15, v9;
	vm6 =	veq.s32 v8, $0x0;
	vm5 =	vmor vm7, vm5  }
0x12c: {  	[tilespmem:$0x8A0] =	vst v12;
	vm5 =	vmand vm6, vm5  }
0x12d: {  	[tilespmem:$0xD00] =	vst v9;
	v8 =	vsel vm5, v11, v10  }
0x12e: {  	v6 =	vsel vm5, v6, v14;
	[tilespmem:$0x1180] =	vst v8  }
0x12f: {  	s23 =	simm.s32 $0x891;
	[tilespmem:$0x1600] =	vst v6  }
0x130: {  	v6 =	vmul.u32 $0xFFFFFFFF, v3;
	v8 =	vld [tilespmem:s23+$0xFFFFFFEF]  }
0x131: {  	s24 =	simm.s32 $0x400;
	v9 =	vld [tilespmem:s23+$0xFFFFFFFF]  }
0x132: {  	s25 =	simm.s32 $0x3F0;
	v11 =	vor.u32 s24, v3;
	v10 =	vld [tilespmem:s23+$0x0];
	v6 =	vadd.s32 $0xF, v6  }
0x133: {  	v13 =	vor.u32 s25, v3;
	v12 =	vld [tilespmem:s23+$0xFFFFFFF0];
	v11 =	vperm.xlane v11, v6  }
0x134: {  	v13 =	vperm.xlane v13, v6  }
0x135: {  	v14 =	vperm.xlane v11, v2  }
0x136: {  	v15 =	vperm.xlane v13, v2;
	vm5 =	vgt.f32 v9, $1.000000010e-10;
	vm7 =	vgt.f32 v8, $1.000000010e-10  }
0x137: {  	vm8 =	vle.f32 v10, $1.000000010e-10;
	vm6 =	vmneg vm5;
	vm5 =	vmneg vm7  }
0x138: {  	vm7 =	vle.f32 v12, $1.000000010e-10;
	vm8 =	vmor vm6, vm8;
	v8 =	vsel vm5, $0xFF7FC99E, v8  }
0x139: {  	vm7 =	vmor vm5, vm7;
	v9 =	vsel vm6, $0xFF7FC99E, v9;
	v8 =	vperm.xlane v8, v6  }
0x13a: {  	v10 =	vsel vm7, $0x1, v1;
	v9 =	vperm.xlane v9, v6;
	v12 =	vsel vm8, $0x1, v1  }
0x13b: {  	v10 =	vperm.xlane v10, v6;
	v12 =	vperm.xlane v12, v6  }
0x13c: {  	vm7 =	vlt.s32 v15, v13;
	v17 =	vperm.xlane v8, v2;
	v18 =	vperm.xlane v9, v2  }
0x13d: {  	vm8 =	vlt.s32 v14, v11;
	v19 =	vperm.xlane v10, v2;
	v20 =	vperm.xlane v12, v2  }
0x13e: {  	vm9 =	veq.s32 v12, $0x0;
	vm10 =	veq.s32 v10, $0x0;
	v18 =	vsel vm4, $0xFF7FC99E, v18  }
0x13f: {  	v17 =	vsel vm4, $0xFF7FC99E, v17;
	v19 =	vsel vm4, $0x0, v19;
	vm11 =	veq.f32 v18, v9  }
0x140: {  	v20 =	vsel vm4, $0x0, v20;
	vm12 =	veq.f32 v17, v8;
	vm8 =	vmand vm11, vm8  }
0x141: {  	vm11 =	vgt.f32 v17, v8;
	vm7 =	vmand vm12, vm7;
	vm12 =	vgt.f32 v18, v9  }
0x142: {  	v10 =	vor.u32 v10, v19;
	v12 =	vor.u32 v12, v20;
	vm8 =	vmor vm12, vm8  }
0x143: {  	v19 =	vperm.xlane v12, v4;
	v20 =	vperm.xlane v10, v4;
	vm9 =	vmand vm9, vm8  }
0x144: {  	vm12 =	veq.s32 v12, $0x0;
	vm7 =	vmor vm11, vm7;
	v9 =	vsel vm9, v18, v9  }
0x145: {  	vm8 =	veq.s32 v10, $0x0;
	v11 =	vsel vm9, v14, v11;
	v14 =	vperm.xlane v9, v4  }
0x146: {  	vm7 =	vmand vm10, vm7;
	v18 =	vsel vm1, $0x0, v20;
	v20 =	vperm.xlane v11, v4  }
0x147: {  	v19 =	vsel vm1, $0x0, v19;
	v8 =	vsel vm7, v17, v8;
	v14 =	vsel vm1, $0xFF7FC99E, v14  }
0x148: {  	v13 =	vsel vm7, v15, v13;
	vm9 =	vlt.s32 v20, v11;
	vm7 =	veq.f32 v14, v9  }
0x149: {  	v15 =	vperm.xlane v13, v4;
	vm10 =	vgt.f32 v14, v9;
	vm7 =	vmand vm7, vm9  }
0x14a: {  	v17 =	vperm.xlane v8, v4;
	v10 =	vor.u32 v10, v18;
	vm7 =	vmor vm10, vm7  }
0x14b: {  	v12 =	vor.u32 v12, v19;
	v18 =	vperm.xlane v10, v5;
	vm9 =	vmand vm12, vm7  }
0x14c: {  	v19 =	vperm.xlane v12, v5;
	v17 =	vsel vm1, $0xFF7FC99E, v17;
	v9 =	vsel vm9, v14, v9  }
0x14d: {  	v18 =	vsel vm0, $0x0, v18;
	v11 =	vsel vm9, v20, v11;
	v14 =	vperm.xlane v9, v5  }
0x14e: {  	vm11 =	veq.f32 v17, v8;
	v19 =	vsel vm0, $0x0, v19;
	v20 =	vperm.xlane v11, v5  }
0x14f: {  	vm10 =	veq.s32 v12, $0x0;
	vm9 =	vlt.s32 v15, v13;
	v14 =	vsel vm0, $0xFF7FC99E, v14  }
0x150: {  	vm9 =	vmand vm11, vm9;
	vm12 =	vlt.s32 v20, v11;
	vm11 =	veq.f32 v14, v9  }
0x151: {  	v12 =	vor.u32 v12, v19;
	vm11 =	vmand vm11, vm12;
	vm12 =	vgt.f32 v17, v8  }
0x152: {  	vm7 =	veq.s32 v10, $0x0;
	vm9 =	vmor vm12, vm9;
	vm12 =	vgt.f32 v14, v9  }
0x153: {  	v10 =	vor.u32 v10, v18;
	v19 =	vperm.xlane v12, v7;
	vm11 =	vmor vm12, vm11  }
0x154: {  	v18 =	vperm.xlane v10, v7;
	vm8 =	vmand vm8, vm9;
	vm9 =	vmand vm10, vm11  }
0x155: {  	v8 =	vsel vm8, v17, v8;
	v13 =	vsel vm8, v15, v13;
	v9 =	vsel vm9, v14, v9  }
0x156: {  	v14 =	vperm.xlane v8, v5;
	v15 =	vperm.xlane v13, v5;
	v11 =	vsel vm9, v20, v11  }
0x157: {  	v16 =	vimm.f32 $-3.399999950e+38;
	v17 =	vperm.xlane v9, v7;
	v20 =	vperm.xlane v11, v7  }
0x158: {  	v19 =	vsel vm2, $0x0, v19;
	v14 =	vsel vm0, $0xFF7FC99E, v14;
	vm9 =	vlt.s32 v15, v13  }
0x159: {  	v17 =	vsel vm2, $0xFF7FC99E, v17;
	vm10 =	veq.f32 v14, v8;
	vm12 =	vlt.s32 v20, v11  }
0x15a: {  	vm11 =	veq.f32 v17, v9;
	vm9 =	vmand vm10, vm9;
	vm10 =	vgt.f32 v14, v8  }
0x15b: {  	vm11 =	vmand vm11, vm12;
	vm9 =	vmor vm10, vm9;
	vm10 =	vgt.f32 v17, v9  }
0x15c: {  	vm8 =	veq.s32 v10, $0x0;
	vm12 =	veq.s32 v12, $0x0;
	vm10 =	vmor vm10, vm11  }
0x15d: {  	v12 =	vor.u32 v12, v19;
	vm7 =	vmand vm7, vm9;
	vm9 =	vmand vm12, vm10  }
0x15e: {  	v8 =	vsel vm7, v14, v8;
	v13 =	vsel vm7, v15, v13;
	v9 =	vsel vm9, v17, v9  }
0x15f: {  	v11 =	vsel vm9, v20, v11;
	v14 =	vperm.xlane v8, v7;
	v15 =	vperm.xlane v13, v7  }
0x160: {  	vm7 =	veq.f32 v16, v9;
	vm9 =	vlt.s32 v1, v11;
	vm10 =	vgt.f32 v16, v9  }
0x161: {  	vm7 =	vmand vm7, vm9;
	vm9 =	veq.s32 v12, $0x0;
	v12 =	vsel vm2, $0xFF7FC99E, v14  }
0x162: {  	vm11 =	vlt.s32 v15, v13;
	vm7 =	vmor vm10, vm7;
	vm10 =	veq.f32 v12, v8  }
0x163: {  	vm7 =	vmand vm9, vm7;
	vm9 =	vgt.f32 v12, v8;
	vm10 =	vmand vm10, vm11  }
0x164: {  	s26 =	simm.s32 $0x1180;
	v9 =	vsel vm7, v16, v9;
	v11 =	vsel vm7, v1, v11;
	vm7 =	vmor vm9, vm10  }
0x165: {  	s28 =	simm.s32 $0x1600;
	v16 =	vld [tilespmem:s26+$0x0];
	v14 =	vperm.xlane v9, v0;
	v17 =	vperm.xlane v11, v0;
	vm7 =	vmand vm8, vm7  }
0x166: {  	v19 =	vld [tilespmem:s28+$0x0];
	v9 =	vperm.xlane v9, v6;
	v8 =	vsel vm7, v12, v8;
	v12 =	vsel vm7, v15, v13  }
0x167: {  	v13 =	vsel vm2, $0x0, v18;
	vm7 =	veq.f32 v14, v8;
	vm8 =	vlt.s32 v17, v12  }
0x168: {  	v10 =	vor.u32 v10, v13;
	vm9 =	vgt.f32 v14, v8;
	vm7 =	vmand vm7, vm8  }
0x169: {  	v11 =	vperm.xlane v11, v6;
	v15 =	vld [tilespmem:s28+$0xFFFFFFF0];
	vm8 =	veq.s32 v10, $0x0;
	vm7 =	vmor vm9, vm7  }
0x16a: {  	v62 =	vimm.s32 $0x0;
	v13 =	vld [tilespmem:s26+$0xFFFFFFF0];
	vm9 =	vgt.f32 v9, v16;
	vm7 =	vmand vm8, vm7  }
0x16b: {  	s29 =	simm.s32 $0x871;
	vm10 =	veq.f32 v9, v16;
	vm8 =	vlt.s32 v11, v19;
	v8 =	vsel vm7, v14, v8  }
0x16c: {  	v18 =	vld [tilespmem:s29+$0xFFFFFFEF];
	v10 =	vsel vm7, v17, v12;
	vm7 =	vmand vm10, vm8;
	v12 =	vperm.xlane v8, v6  }
0x16d: {  	s30 =	simm.s32 $0x3E0;
	v17 =	vld [tilespmem:s29+$0xFFFFFFF0];
	vm7 =	vmor vm9, vm7;
	v14 =	vperm.xlane v10, v6;
	v9 =	vperm.xlane v8, v0  }
0x16e: {  	v16 =	vld [tilespmem:s29+$0xFFFFFFFF];
	v8 =	vperm.xlane v10, v0;
	v10 =	vsel vm7, v11, v19;
	v11 =	vor.u32 s30, v3  }
0x16f: {  	s31 =	simm.s32 $0x3D0;
	vm7 =	veq.f32 v12, v13;
	vm8 =	vlt.s32 v14, v15;
	vm9 =	vgt.f32 v12, v13  }
0x170: {  	v12 =	vld [tilespmem:s29+$0x0];
	v13 =	vor.u32 s31, v3;
	v19 =	vperm.xlane v11, v6;
	vm7 =	vmand vm7, vm8  }
0x171: {  	v13 =	vperm.xlane v13, v6;
	vm8 =	vgt.f32 v18, $1.000000010e-10;
	vm7 =	vmor vm9, vm7  }
0x172: {  	vm9 =	vle.f32 v17, $1.000000010e-10;
	vm8 =	vmneg vm8;
	v11 =	vsel vm7, v14, v15  }
0x173: {  	vm7 =	vgt.f32 v16, $1.000000010e-10;
	v14 =	vperm.xlane v19, v2;
	vm9 =	vmor vm8, vm9  }
0x174: {  	v15 =	vperm.xlane v13, v2;
	vm7 =	vmneg vm7;
	v17 =	vsel vm9, $0x1, v1  }
0x175: {  	v16 =	vsel vm7, $0xFF7FC99E, v16;
	vm10 =	vle.f32 v12, $1.000000010e-10;
	v17 =	vperm.xlane v17, v6  }
0x176: {  	v12 =	vperm.xlane v16, v6;
	vm10 =	vmor vm7, vm10;
	v16 =	vsel vm8, $0xFF7FC99E, v18  }
0x177: {  	v16 =	vperm.xlane v16, v6;
	v20 =	vsel vm10, $0x1, v1;
	v39 =	vperm.xlane v17, v2  }
0x178: {  	vm6 =	vmmov vm6;
	v18 =	vperm.xlane v12, v2;
	v20 =	vperm.xlane v20, v6  }
0x179: {  	vm9 =	vlt.s32 v15, v13;
	vm10 =	vlt.s32 v14, v19;
	v38 =	vperm.xlane v16, v2  }
0x17a: {  	v22 =	vsel vm4, $0x0, v39;
	v18 =	vsel vm4, $0xFF7FC99E, v18;
	v40 =	vperm.xlane v20, v2  }
0x17b: {  	vm11 =	veq.f32 v18, v12;
	vm12 =	vgt.f32 v18, v12;
	v21 =	vsel vm4, $0xFF7FC99E, v38  }
0x17c: {  	vm10 =	vmand vm11, vm10;
	vm11 =	veq.s32 v20, $0x0;
	v23 =	vsel vm4, $0x0, v40  }
0x17d: {  	vm10 =	vmor vm12, vm10;
	vm12 =	veq.s32 v17, $0x0;
	v17 =	vor.u32 v17, v22  }
0x17e: {  	vm10 =	vmand vm11, vm10;
	vm11 =	vgt.f32 v21, v16;
	v42 =	vperm.xlane v17, v4  }
0x17f: {  	v12 =	vsel vm10, v18, v12;
	v14 =	vsel vm10, v14, v19;
	vm10 =	veq.f32 v21, v16  }
0x180: {  	v18 =	vor.u32 v20, v23;
	v19 =	vperm.xlane v12, v4;
	vm9 =	vmand vm10, vm9  }
0x181: {  	v20 =	vperm.xlane v18, v4;
	v41 =	vperm.xlane v14, v4;
	vm9 =	vmor vm11, vm9  }
0x182: {  	v23 =	vsel vm1, $0x0, v42;
	v19 =	vsel vm1, $0xFF7FC99E, v19;
	vm10 =	vmand vm12, vm9  }
0x183: {  	vm12 =	vlt.s32 v41, v14;
	vm9 =	veq.s32 v17, $0x0;
	vm11 =	veq.f32 v19, v12  }
0x184: {  	v20 =	vsel vm1, $0x0, v20;
	vm11 =	vmand vm11, vm12;
	vm12 =	vgt.f32 v19, v12  }
0x185: {  	v17 =	vor.u32 v17, v23;
	vm11 =	vmor vm12, vm11;
	vm12 =	veq.s32 v18, $0x0  }
0x186: {  	v16 =	vsel vm10, v21, v16;
	v13 =	vsel vm10, v15, v13;
	vm11 =	vmand vm12, vm11  }
0x187: {  	v15 =	vperm.xlane v16, v4;
	v18 =	vor.u32 v18, v20;
	v12 =	vsel vm11, v19, v12  }
0x188: {  	v19 =	vperm.xlane v13, v4;
	v14 =	vsel vm11, v41, v14;
	v43 =	vperm.xlane v12, v5  }
0x189: {  	v20 =	vperm.xlane v17, v5;
	v15 =	vsel vm1, $0xFF7FC99E, v15;
	v22 =	vperm.xlane v14, v5  }
0x18a: {  	vm11 =	veq.f32 v15, v16;
	vm10 =	vlt.s32 v19, v13;
	v21 =	vsel vm0, $0xFF7FC99E, v43  }
0x18b: {  	vm10 =	vmand vm11, vm10;
	vm12 =	vlt.s32 v22, v14;
	vm11 =	veq.f32 v21, v12  }
0x18c: {  	v44 =	vperm.xlane v18, v5;
	vm11 =	vmand vm11, vm12;
	vm12 =	vgt.f32 v15, v16  }
0x18d: {  	vm5 =	vmmov vm5;
	vm10 =	vmor vm12, vm10;
	vm12 =	vgt.f32 v21, v12  }
0x18e: {  	v20 =	vsel vm0, $0x0, v20;
	v23 =	vsel vm0, $0x0, v44;
	vm11 =	vmor vm12, vm11  }
0x18f: {  	vm12 =	veq.s32 v17, $0x0;
	vm9 =	vmand vm9, vm10;
	vm10 =	veq.s32 v18, $0x0  }
0x190: {  	v17 =	vor.u32 v17, v20;
	vm10 =	vmand vm10, vm11;
	v15 =	vsel vm9, v15, v16  }
0x191: {  	v13 =	vsel vm9, v19, v13;
	v12 =	vsel vm10, v21, v12;
	v16 =	vperm.xlane v15, v5  }
0x192: {  	v19 =	vperm.xlane v13, v5;
	v14 =	vsel vm10, v22, v14;
	v21 =	vperm.xlane v12, v7  }
0x193: {  	v18 =	vor.u32 v18, v23;
	v20 =	vperm.xlane v14, v7;
	v16 =	vsel vm0, $0xFF7FC99E, v16  }
0x194: {  	vm9 =	vlt.s32 v19, v13;
	v21 =	vsel vm2, $0xFF7FC99E, v21;
	vm10 =	veq.f32 v16, v15  }
0x195: {  	vm11 =	veq.f32 v21, v12;
	vm9 =	vmand vm10, vm9;
	vm10 =	vlt.s32 v20, v14  }
0x196: {  	v45 =	vperm.xlane v18, v7;
	vm10 =	vmand vm11, vm10;
	vm11 =	vgt.f32 v16, v15  }
0x197: {  	vm7 =	vmmov vm7;
	vm11 =	vmor vm11, vm9;
	vm9 =	vgt.f32 v21, v12  }
0x198: {  	v46 =	vperm.xlane v17, v7;
	v22 =	vsel vm2, $0x0, v45;
	vm10 =	vmor vm9, vm10  }
0x199: {  	vm9 =	veq.s32 v17, $0x0;
	vm11 =	vmand vm12, vm11;
	vm12 =	veq.s32 v18, $0x0  }
0x19a: {  	v18 =	vor.u32 v18, v22;
	vm10 =	vmand vm12, vm10;
	v15 =	vsel vm11, v16, v15  }
0x19b: {  	v13 =	vsel vm11, v19, v13;
	v12 =	vsel vm10, v21, v12;
	v14 =	vsel vm10, v20, v14  }
0x19c: {  	v16 =	vperm.xlane v15, v7;
	vm10 =	veq.f32 v9, v12;
	vm11 =	vlt.s32 v8, v14  }
0x19d: {  	v19 =	vperm.xlane v13, v7;
	vm12 =	vgt.f32 v9, v12;
	vm10 =	vmand vm10, vm11  }
0x19e: {  	vm11 =	veq.s32 v18, $0x0;
	v16 =	vsel vm2, $0xFF7FC99E, v16;
	vm10 =	vmor vm12, vm10  }
0x19f: {  	s2 =	simm.s32 $0x900;
	vm12 =	veq.f32 v16, v15;
	vm10 =	vmand vm11, vm10;
	vm11 =	vlt.s32 v19, v13  }
0x1a0: {  	s4 =	simm.s32 $0x1160;
	v10 =	vld.idx.msk [tilespmem:v10+s2+$0x0], $0xffff;
	vm11 =	vmand vm12, vm11;
	vm12 =	vgt.f32 v16, v15;
	v9 =	vsel vm10, v9, v12  }
0x1a1: {  	s5 =	simm.s32 $0x15E0;
	v8 =	vsel vm10, v8, v14;
	v14 =	vld [tilespmem:s4+$0x0];
	vm10 =	vmor vm12, vm11;
	v12 =	vperm.xlane v9, v0  }
0x1a2: {  	v20 =	vld [tilespmem:s5+$0x0];
	v18 =	vperm.xlane v8, v0;
	v9 =	vperm.xlane v9, v6;
	vm9 =	vmand vm9, vm10  }
0x1a3: {  	s3 =	simm.s32 $0xD00;
	v11 =	vld.idx.msk [tilespmem:v11+s2+$0x0], $0xffff;
	v8 =	vperm.xlane v8, v6;
	v15 =	vsel vm9, v16, v15;
	v13 =	vsel vm9, v19, v13  }
0x1a4: {  	v16 =	vsel vm2, $0x0, v46;
	v19 =	vld [tilespmem:s3+$0x0];
	vm9 =	veq.f32 v12, v15;
	vm10 =	vlt.s32 v18, v13  }
0x1a5: {  	v16 =	vor.u32 v17, v16;
	v17 =	vld [tilespmem:s3+$0xFFFFFFF0];
	vm11 =	vgt.f32 v12, v15;
	vm9 =	vmand vm9, vm10  }
0x1a6: {  	v47 =	vld [tilespmem:s4+$0xFFFFFFF0];
	vm10 =	veq.s32 v16, $0x0;
	vm12 =	veq.f32 v9, v14;
	vm9 =	vmor vm11, vm9  }
0x1a7: {  	v16 =	vld [tilespmem:s5+$0xFFFFFFF0];
	vm11 =	vgt.f32 v9, v14;
	vm9 =	vmand vm10, vm9;
	vm10 =	vlt.s32 v8, v20  }
0x1a8: {  	s6 =	simm.s32 $0x851;
	s8 =	simm.s32 $0x3B0;
	v9 =	vsel vm9, v12, v15;
	v13 =	vsel vm9, v18, v13;
	vm9 =	vmand vm12, vm10  }
0x1a9: {  	v48 =	vld [tilespmem:s6+$0xFFFFFFF0];
	v10 =	vsub.f32 v19, v10;
	v19 =	vor.u32 s8, v3;
	vm9 =	vmor vm11, vm9  }
0x1aa: {  	v18 =	vld [tilespmem:s6+$0xFFFFFFFF];
	v12 =	vperm.xlane v9, v6;
	v15 =	vperm.xlane v13, v6;
	v11 =	vsub.f32 v17, v11  }
0x1ab: {  	v17 =	vld [tilespmem:s6+$0xFFFFFFEF];
	v19 =	vperm.xlane v19, v6;
	v9 =	vperm.xlane v9, v0;
	v8 =	vsel vm9, v8, v20  }
0x1ac: {  	s7 =	simm.s32 $0x3C0;
	vm9 =	veq.f32 v12, v47;
	vm10 =	vlt.s32 v15, v16;
	vm11 =	vgt.f32 v12, v47  }
0x1ad: {  	v14 =	vsel vm5, $0x0, v11;
	v12 =	vld [tilespmem:s6+$0x0];
	v11 =	vor.u32 s7, v3;
	vm9 =	vmand vm9, vm10  }
0x1ae: {  	v49 =	vperm.xlane v19, v2;
	v20 =	vperm.xlane v11, v6;
	vm5 =	vmor vm11, vm9  }
0x1af: {  	vm9 =	vle.f32 v48, $1.000000010e-10;
	v11 =	vsel vm5, v15, v16;
	vm5 =	vgt.f32 v18, $1.000000010e-10  }
0x1b0: {  	v15 =	vsel vm6, $0x0, v10;
	vm6 =	vgt.f32 v17, $1.000000010e-10;
	vm5 =	vmneg vm5  }
0x1b1: {  	v10 =	vperm.xlane v20, v2;
	vm6 =	vmneg vm6;
	v16 =	vsel vm5, $0xFF7FC99E, v18  }
0x1b2: {  	vm10 =	vle.f32 v12, $1.000000010e-10;
	vm9 =	vmor vm6, vm9;
	v12 =	vperm.xlane v16, v6  }
0x1b3: {  	vm10 =	vmor vm5, vm10;
	v16 =	vsel vm6, $0xFF7FC99E, v17;
	v17 =	vsel vm9, $0x1, v1  }
0x1b4: {  	v16 =	vperm.xlane v16, v6;
	v50 =	vsel vm10, $0x1, v1;
	v17 =	vperm.xlane v17, v6  }
0x1b5: {  	vm8 =	vmmov vm8;
	v18 =	vperm.xlane v12, v2;
	v22 =	vperm.xlane v50, v6  }
0x1b6: {  	vm9 =	vlt.s32 v49, v19;
	vm10 =	vlt.s32 v10, v20;
	v51 =	vperm.xlane v16, v2  }
0x1b7: {  	v52 =	vperm.xlane v17, v2;
	v18 =	vsel vm4, $0xFF7FC99E, v18;
	v53 =	vperm.xlane v22, v2  }
0x1b8: {  	vm11 =	veq.f32 v18, v12;
	vm12 =	vgt.f32 v18, v12;
	v23 =	vsel vm4, $0xFF7FC99E, v51  }
0x1b9: {  	v24 =	vsel vm4, $0x0, v52;
	vm10 =	vmand vm11, vm10;
	vm11 =	veq.s32 v22, $0x0  }
0x1ba: {  	v25 =	vsel vm4, $0x0, v53;
	vm10 =	vmor vm12, vm10;
	vm12 =	veq.s32 v17, $0x0  }
0x1bb: {  	v17 =	vor.u32 v17, v24;
	vm10 =	vmand vm11, vm10;
	vm11 =	vgt.f32 v23, v16  }
0x1bc: {  	v55 =	vperm.xlane v17, v4;
	v12 =	vsel vm10, v18, v12;
	v10 =	vsel vm10, v10, v20  }
0x1bd: {  	vm10 =	veq.f32 v23, v16;
	v18 =	vor.u32 v22, v25;
	v20 =	vperm.xlane v12, v4  }
0x1be: {  	vm9 =	vmand vm10, vm9;
	v22 =	vperm.xlane v18, v4;
	v54 =	vperm.xlane v10, v4  }
0x1bf: {  	v25 =	vsel vm1, $0x0, v55;
	vm9 =	vmor vm11, vm9;
	v20 =	vsel vm1, $0xFF7FC99E, v20  }
0x1c0: {  	vm10 =	vmand vm12, vm9;
	vm12 =	vlt.s32 v54, v10;
	vm11 =	veq.f32 v20, v12  }
0x1c1: {  	vm9 =	veq.s32 v17, $0x0;
	vm11 =	vmand vm11, vm12;
	vm12 =	vgt.f32 v20, v12  }
0x1c2: {  	v22 =	vsel vm1, $0x0, v22;
	vm11 =	vmor vm12, vm11;
	vm12 =	veq.s32 v18, $0x0  }
0x1c3: {  	v16 =	vsel vm10, v23, v16;
	v19 =	vsel vm10, v49, v19;
	vm11 =	vmand vm12, vm11  }
0x1c4: {  	v56 =	vperm.xlane v16, v4;
	v57 =	vperm.xlane v19, v4;
	v20 =	vsel vm11, v20, v12  }
0x1c5: {  	v18 =	vor.u32 v18, v22;
	v24 =	vsel vm11, v54, v10;
	v10 =	vperm.xlane v20, v5  }
0x1c6: {  	v12 =	vor.u32 v17, v25;
	v17 =	vsel vm1, $0xFF7FC99E, v56;
	v58 =	vperm.xlane v24, v5  }
0x1c7: {  	vm10 =	vlt.s32 v57, v19;
	vm11 =	veq.f32 v17, v16;
	v59 =	vsel vm0, $0xFF7FC99E, v10  }
0x1c8: {  	vm10 =	vmand vm11, vm10;
	vm12 =	vlt.s32 v58, v24;
	vm11 =	veq.f32 v59, v20  }
0x1c9: {  	v10 =	vperm.xlane v12, v5;
	vm11 =	vmand vm11, vm12;
	vm12 =	vgt.f32 v17, v16  }
0x1ca: {  	v22 =	vperm.xlane v18, v5;
	vm12 =	vmor vm12, vm10;
	vm10 =	vgt.f32 v59, v20  }
0x1cb: {  	v10 =	vsel vm0, $0x0, v10;
	vm11 =	vmor vm10, vm11;
	vm10 =	veq.s32 v12, $0x0  }
0x1cc: {  	v12 =	vor.u32 v12, v10;
	vm9 =	vmand vm9, vm12;
	vm12 =	veq.s32 v18, $0x0  }
0x1cd: {  	v10 =	vperm.xlane v13, v0;
	v13 =	vsel vm0, $0x0, v22;
	vm11 =	vmand vm12, vm11  }
0x1ce: {  	v16 =	vsel vm9, v17, v16;
	v17 =	vsel vm9, v57, v19;
	v13 =	vor.u32 v18, v13  }
0x1cf: {  	v19 =	vsel vm11, v59, v20;
	v20 =	vperm.xlane v16, v5;
	v60 =	vperm.xlane v17, v5  }
0x1d0: {  	v21 =	vsel vm11, v58, v24;
	v24 =	vsel vm0, $0xFFFFFFFF, v62;
	v61 =	vperm.xlane v19, v7  }
0x1d1: {  	v63 =	vperm.xlane v13, v7;
	v18 =	vperm.xlane v21, v7;
	v20 =	vsel vm0, $0xFF7FC99E, v20  }
0x1d2: {  	vm9 =	vlt.s32 v60, v17;
	v23 =	vsel vm2, $0xFF7FC99E, v61;
	vm11 =	veq.f32 v20, v16  }
0x1d3: {  	vm12 =	veq.f32 v23, v19;
	vm9 =	vmand vm11, vm9;
	vm11 =	vlt.s32 v18, v21  }
0x1d4: {  	[tilespmem:$0x1FFF0] =	vst v24;
	v24 =	vsel vm2, $0x0, v63;
	vm11 =	vmand vm12, vm11;
	vm12 =	vgt.f32 v20, v16  }
0x1d5: {  	v24 =	vor.u32 v13, v24;
	vm9 =	vmor vm12, vm9;
	vm12 =	vgt.f32 v23, v19  }
0x1d6: {  	vm11 =	vmor vm12, vm11;
	vm12 =	veq.s32 v13, $0x0;
	v13 =	vperm.xlane v12, v7  }
0x1d7: {  	s8 =	simm.s32 $0x1A80;
	vm10 =	vmand vm10, vm9;
	vm9 =	veq.s32 v12, $0x0;
	vm12 =	vmand vm12, vm11  }
0x1d8: {  	[tilespmem:s8+$0xFFFFFFF0] =	vst v14;
	v8 =	vld.idx.msk [tilespmem:v8+s2+$0x0], $0xffff;
	vm11 =	veq.s32 v24, $0x0;
	v14 =	vsel vm10, v20, v16;
	v16 =	vsel vm10, v60, v17  }
0x1d9: {  	[tilespmem:s8+$0x0] =	vst v15;
	v17 =	vsel vm12, v23, v19;
	v18 =	vsel vm12, v18, v21;
	v19 =	vperm.xlane v14, v7  }
0x1da: {  	s9 =	simm.s32 $0x4;
	v11 =	vld.idx.msk [tilespmem:v11+s2+$0x0], $0xffff;
	v15 =	vperm.xlane v16, v7;
	vm10 =	veq.f32 v9, v17;
	vm12 =	vlt.s32 v10, v18  }
.LBB2_4:
0x1db: {  	vm13 =	vgt.f32 v9, v17;
	vm10 =	vmand vm10, vm12  }
0x1dc: {  	v19 =	vsel vm2, $0xFF7FC99E, v19;
	vm10 =	vmor vm13, vm10  }
0x1dd: {  	vm13 =	vlt.s32 v15, v16;
	v13 =	vsel vm2, $0x0, v13;
	vm12 =	veq.f32 v19, v14  }
0x1de: {  	s4 =	sadd.s32 $0xFFFFFFE0, s4;
	vm10 =	vmand vm11, vm10;
	vm11 =	vgt.f32 v19, v14;
	vm12 =	vmand vm12, vm13  }
0x1df: {  	s5 =	sadd.s32 $0xFFFFFFE0, s5;
	v20 =	vld [tilespmem:s4+$0x0];
	v9 =	vsel vm10, v9, v17;
	v10 =	vsel vm10, v10, v18;
	vm10 =	vmor vm11, vm12  }
0x1e0: {  	s3 =	sadd.s32 $0xFFFFFFE0, s3;
	v21 =	vld [tilespmem:s5+$0x0];
	v17 =	vperm.xlane v9, v0;
	v18 =	vperm.xlane v10, v0;
	vm9 =	vmand vm9, vm10  }
0x1e1: {  	v12 =	vor.u32 v12, v13;
	v13 =	vld [tilespmem:s3+$0xFFFFFFF0];
	v14 =	vsel vm9, v19, v14;
	v15 =	vsel vm9, v15, v16  }
0x1e2: {  	vm0 =	vmmov vm5;
	v16 =	vld [tilespmem:s3+$0x0];
	vm9 =	veq.f32 v17, v14;
	vm10 =	vlt.s32 v18, v15  }
0x1e3: {  	v9 =	vperm.xlane v9, v6;
	vm11 =	vgt.f32 v17, v14;
	vm9 =	vmand vm9, vm10  }
0x1e4: {  	v19 =	vperm.xlane v10, v6;
	vm10 =	veq.s32 v12, $0x0;
	vm9 =	vmor vm11, vm9  }
0x1e5: {  	vm12 =	veq.f32 v9, v20;
	v12 =	vld [tilespmem:s4+$0xFFFFFFF0];
	vm11 =	vgt.f32 v9, v20;
	vm9 =	vmand vm10, vm9  }
0x1e6: {  	v20 =	vld [tilespmem:s5+$0xFFFFFFF0];
	vm10 =	vlt.s32 v19, v21;
	v14 =	vsel vm9, v17, v14;
	v15 =	vsel vm9, v18, v15  }
0x1e7: {  	s6 =	sadd.s32 $0xFFFFFFE0, s6;
	vm9 =	vmand vm12, vm10;
	v16 =	vsub.f32 v16, v8;
	v8 =	vsub.f32 v13, v11  }
0x1e8: {  	s7 =	sadd.s32 $0xFFFFFFE0, s7;
	v17 =	vld [tilespmem:s6+$0xFFFFFFF0];
	v9 =	vperm.xlane v14, v0;
	v10 =	vperm.xlane v15, v0;
	vm9 =	vmor vm11, vm9  }
0x1e9: {  	s10 =	sadd.s32 $0xFFFFFFF0, s7;
	v13 =	vld [tilespmem:s6+$0xFFFFFFFF];
	v14 =	vperm.xlane v14, v6;
	v15 =	vperm.xlane v15, v6;
	v18 =	vsel vm9, v19, v21  }
0x1ea: {  	v11 =	vld [tilespmem:s6+$0xFFFFFFEF];
	v8 =	vsel vm8, $0x0, v8;
	v19 =	vor.u32 s10, v3;
	v16 =	vsel vm7, $0x0, v16  }
0x1eb: {  	vm7 =	vmmov vm1;
	vm9 =	veq.f32 v14, v12;
	vm10 =	vlt.s32 v15, v20  }
0x1ec: {  	vm11 =	vgt.f32 v14, v12;
	v12 =	vld [tilespmem:s6+$0x0];
	v14 =	vor.u32 s7, v3;
	vm9 =	vmand vm9, vm10  }
0x1ed: {  	v19 =	vperm.xlane v19, v6;
	v14 =	vperm.xlane v14, v6;
	vm8 =	vmor vm11, vm9  }
0x1ee: {  	vm5 =	vgt.f32 v13, $1.000000010e-10;
	vm9 =	vle.f32 v17, $1.000000010e-10;
	v15 =	vsel vm8, v15, v20  }
0x1ef: {  	s8 =	sadd.s32 $0xFFFFFFE0, s8;
	v20 =	vperm.xlane v19, v2;
	vm8 =	vmmov vm6;
	vm6 =	vgt.f32 v11, $1.000000010e-10  }
0x1f0: {  	[tilespmem:s8+$0xFFFFFFF0] =	vst v8;
	vm5 =	vmneg vm5;
	v8 =	vld.idx.msk [tilespmem:v18+s2+$0x0], $0xffff;
	v18 =	vimm.s32 $0x0;
	vm6 =	vmneg vm6  }
0x1f1: {  	v18 =	vsel vm0, $0xFFFFFFFF, v18;
	vm10 =	vle.f32 v12, $1.000000010e-10;
	v11 =	vsel vm6, $0xFF7FC99E, v11  }
0x1f2: {  	vm9 =	vmor vm6, vm9;
	v12 =	vsel vm5, $0xFF7FC99E, v13;
	vm0 =	veq.s32 v3, $0x0  }
0x1f3: {  	[tilespmem:$0x1FFE0] =	vst v18;
	v18 =	vperm.xlane v14, v2;
	vm10 =	vmor vm5, vm10;
	v12 =	vperm.xlane v12, v6  }
0x1f4: {  	[tilespmem:s8+$0x0] =	vst v16;
	v13 =	vperm.xlane v11, v6;
	v16 =	vsel vm9, $0x1, v1;
	vm9 =	vlt.s32 v20, v19  }
0x1f5: {  	v16 =	vperm.xlane v16, v6;
	v11 =	vld.idx.msk [tilespmem:v15+s2+$0x0], $0xffff;
	v15 =	vsel vm10, $0x1, v1;
	v53 =	vperm.xlane v12, v2  }
0x1f6: {  	v17 =	vperm.xlane v13, v2;
	vm10 =	vlt.s32 v18, v14;
	v15 =	vperm.xlane v15, v6  }
0x1f7: {  	v22 =	vperm.xlane v16, v2;
	vm13 =	veq.s32 v16, $0x0;
	v21 =	vsel vm0, $0xFF7FC99E, v53  }
0x1f8: {  	v17 =	vsel vm0, $0xFF7FC99E, v17;
	v23 =	vperm.xlane v15, v2;
	vm12 =	veq.s32 v15, $0x0  }
0x1f9: {  	v22 =	vsel vm0, $0x0, v22;
	vm14 =	vgt.f32 v17, v13;
	vm11 =	veq.f32 v17, v13  }
0x1fa: {  	vm15 =	vgt.f32 v21, v12;
	vm3 =	veq.f32 v21, v12;
	v16 =	vor.u32 v16, v22  }
0x1fb: {  	vm3 =	vmand vm3, vm10;
	vm10 =	vmand vm11, vm9;
	v23 =	vsel vm0, $0x0, v23  }
0x1fc: {  	v55 =	vperm.xlane v16, v4;
	vm11 =	veq.s32 v16, $0x0;
	vm3 =	vmor vm15, vm3  }
0x1fd: {  	vm10 =	vmor vm14, vm10;
	v15 =	vor.u32 v15, v23;
	vm3 =	vmand vm12, vm3  }
0x1fe: {  	vm10 =	vmand vm13, vm10;
	v54 =	vperm.xlane v15, v4;
	vm9 =	veq.s32 v15, $0x0  }
0x1ff: {  	v23 =	vsel vm1, $0x0, v55;
	v17 =	vsel vm10, v17, v13;
	v19 =	vsel vm10, v20, v19  }
0x200: {  	v24 =	vld [tilespmem:$0x1FFF0];
	v12 =	vsel vm3, v21, v12;
	v13 =	vsel vm3, v18, v14;
	v14 =	vperm.xlane v19, v4  }
0x201: {  	v18 =	vperm.xlane v12, v4;
	v20 =	vperm.xlane v17, v4;
	v16 =	vor.u32 v16, v23  }
0x202: {  	v56 =	vperm.xlane v13, v4;
	v22 =	vsel vm1, $0x0, v54;
	v57 =	vperm.xlane v16, v5  }
0x203: {  	vm10 =	veq.s32 v16, $0x0;
	v15 =	vor.u32 v15, v22;
	v18 =	vsel vm1, $0xFF7FC99E, v18  }
0x204: {  	vm13 =	vlt.s32 v56, v13;
	v20 =	vsel vm1, $0xFF7FC99E, v20;
	vm1 =	vmmov vm2  }
0x205: {  	vm2 =	vnez.u8 v24;
	v58 =	vperm.xlane v15, v5;
	vm3 =	veq.f32 v18, v12  }
0x206: {  	vm12 =	veq.s32 v15, $0x0;
	vm14 =	vgt.f32 v18, v12;
	vm3 =	vmand vm3, vm13  }
0x207: {  	v22 =	vsel vm2, $0x0, v57;
	vm13 =	vlt.s32 v14, v19;
	vm3 =	vmor vm14, vm3  }
0x208: {  	v23 =	vsel vm2, $0x0, v58;
	vm14 =	vgt.f32 v20, v17;
	vm3 =	vmand vm9, vm3  }
0x209: {  	vm9 =	veq.f32 v20, v17;
	v15 =	vor.u32 v15, v23;
	v18 =	vsel vm3, v18, v12  }
0x20a: {  	v12 =	vor.u32 v16, v22;
	v16 =	vsel vm3, v56, v13;
	vm3 =	vmand vm9, vm13  }
0x20b: {  	v23 =	vperm.xlane v15, v7;
	vm13 =	veq.s32 v15, $0x0;
	v59 =	vperm.xlane v18, v5  }
0x20c: {  	v60 =	vperm.xlane v16, v5;
	v13 =	vperm.xlane v12, v7;
	vm9 =	veq.s32 v12, $0x0  }
0x20d: {  	vm3 =	vmor vm14, vm3;
	v23 =	vsel vm1, $0x0, v23;
	v21 =	vsel vm2, $0xFF7FC99E, v59  }
0x20e: {  	vm3 =	vmand vm11, vm3;
	vm4 =	vlt.s32 v60, v16;
	vm15 =	veq.f32 v21, v18  }
0x20f: {  	v17 =	vsel vm3, v20, v17;
	vm0 =	vgt.f32 v21, v18;
	vm4 =	vmand vm15, vm4  }
0x210: {  	v19 =	vsel vm3, v14, v19;
	v14 =	vperm.xlane v17, v5;
	vm0 =	vmor vm0, vm4  }
0x211: {  	v15 =	vor.u32 v15, v23;
	v20 =	vperm.xlane v19, v5;
	vm0 =	vmand vm12, vm0  }
0x212: {  	v14 =	vsel vm2, $0xFF7FC99E, v14;
	vm2 =	vmmov vm1;
	v18 =	vsel vm0, v21, v18  }
0x213: {  	v62 =	vld [tilespmem:$0x1FFE0];
	vm1 =	vmmov vm7;
	v61 =	vsel vm0, v60, v16;
	v16 =	vperm.xlane v18, v7  }
0x214: {  	vm4 =	veq.f32 v14, v17;
	vm0 =	vlt.s32 v20, v19;
	v22 =	vperm.xlane v61, v7  }
0x215: {  	s9 =	sadd.s32 $0x2, s9;
	vm3 =	vgt.f32 v14, v17;
	vm0 =	vmand vm4, vm0;
	v63 =	vsel vm2, $0xFF7FC99E, v16  }
0x216: {  	p0 =	slt.u32 s9, $0x3E;
	vm0 =	vmor vm3, vm0;
	vm12 =	vlt.s32 v22, v61;
	vm11 =	veq.f32 v63, v18  }
.Ltmp1:
0x217: {  	vm0 =	vmand vm10, vm0;
	vm4 =	vgt.f32 v63, v18;
	vm11 =	vmand vm11, vm12;
	(pc) =	sbr.rel @p0 .LBB2_4-.Ltmp1, $4  }
0x218: {  	vm7 =	vnez.u8 v62;
	v14 =	vsel vm0, v14, v17;
	vm3 =	vmor vm4, vm11  }
0x219: {  	v16 =	vsel vm0, v20, v19;
	v19 =	vperm.xlane v14, v7;
	vm3 =	vmand vm13, vm3  }
0x21a: {  	vm11 =	veq.s32 v15, $0x0;
	v17 =	vsel vm3, v63, v18;
	v18 =	vsel vm3, v22, v61  }
0x21b: {  	v15 =	vperm.xlane v16, v7;
	vm10 =	veq.f32 v9, v17;
	vm12 =	vlt.s32 v10, v18  }
0x21c: {  	vm0 =	vgt.f32 v9, v17;
	vm3 =	vmand vm10, vm12;
	v1 =	vsel vm2, $0xFF7FC99E, v19  }
0x21d: {  	vm0 =	vmor vm0, vm3;
	vm14 =	veq.f32 v1, v14;
	vm4 =	vlt.s32 v15, v16  }
0x21e: {  	vm15 =	vgt.f32 v1, v14;
	vm0 =	vmand vm11, vm0;
	vm3 =	vmand vm14, vm4  }
0x21f: {  	v2 =	vsel vm0, v9, v17;
	v3 =	vsel vm0, v10, v18;
	vm4 =	vmor vm15, vm3  }
0x220: {  	s4 =	sadd.s32 $0xFFFFFFE0, s4;
	v4 =	vperm.xlane v2, v0;
	v5 =	vperm.xlane v3, v0;
	vm0 =	vmand vm9, vm4  }
0x221: {  	s5 =	sadd.s32 $0xFFFFFFE0, s5;
	v7 =	vld [tilespmem:s4+$0x0];
	v1 =	vsel vm0, v1, v14;
	v25 =	vsel vm0, v15, v16  }
0x222: {  	v13 =	vsel vm2, $0x0, v13;
	v26 =	vld [tilespmem:s5+$0x0];
	vm9 =	veq.f32 v4, v1;
	vm10 =	vlt.s32 v5, v25  }
0x223: {  	v12 =	vor.u32 v12, v13;
	v27 =	vld [tilespmem:s4+$0xFFFFFFF0];
	vm11 =	vgt.f32 v4, v1;
	vm0 =	vmand vm9, vm10  }
0x224: {  	v28 =	vld [tilespmem:s5+$0xFFFFFFF0];
	vm12 =	veq.s32 v12, $0x0;
	v29 =	vperm.xlane v2, v6;
	vm0 =	vmor vm11, vm0  }
0x225: {  	v3 =	vperm.xlane v3, v6;
	vm0 =	vmand vm12, vm0  }
0x226: {  	vm13 =	veq.f32 v29, v7;
	v30 =	vsel vm0, v4, v1;
	v31 =	vsel vm0, v5, v25  }
0x227: {  	vm14 =	vlt.s32 v3, v26;
	v4 =	vperm.xlane v30, v6;
	v5 =	vperm.xlane v31, v6  }
0x228: {  	vm3 =	vmand vm13, vm14  }
0x229: {  	vm0 =	vgt.f32 v29, v7;
	vm15 =	veq.f32 v4, v27;
	vm12 =	vlt.s32 v5, v28  }
0x22a: {  	vm0 =	vmor vm0, vm3;
	vm13 =	vgt.f32 v4, v27;
	vm4 =	vmand vm15, vm12  }
0x22b: {  	s3 =	sadd.s32 $0xFFFFFFE0, s3;
	v3 =	vsel vm0, v3, v26;
	vm14 =	vmor vm13, vm4  }
0x22c: {  	v33 =	vld [tilespmem:s3+$0x0];
	v32 =	vsel vm14, v5, v28  }
0x22d: {  	v34 =	vld [tilespmem:s3+$0xFFFFFFF0];
	s25 =	sadd.s32 $0xFFFFFFE0, s3  }
0x22e: {  	v35 =	vld [tilespmem:s25+$0xFFFFFFF0]  }
0x22f: {  	v36 =	vld [tilespmem:s25+$0x0]  }
0x230: {  	v3 =	vld.idx.msk [tilespmem:v3+s2+$0x0], $0xffff  }
0x231: {  	v4 =	vld.idx.msk [tilespmem:v32+s2+$0x0], $0xffff;
	_ =	sdelay $0x1  }
0x232: {  	v6 =	vsub.f32 v34, v11  }
0x233: {  	v5 =	vsub.f32 v33, v8  }
0x234: {  	s26 =	sadd.s32 $0xFFFFFFE0, s8;
	v6 =	vsel vm8, $0x0, v6;
	vm15 =	vmmov vm6;
	v3 =	vsub.f32 v36, v3  }
0x235: {  	[tilespmem:s26+$0xFFFFFFF0] =	vst v6;
	vm6 =	vmmov vm5;
	v5 =	vsel vm7, $0x0, v5;
	v4 =	vsub.f32 v35, v4  }
0x236: {  	[tilespmem:s26+$0x0] =	vst v5;
	s2 =	sadd.s32 $0xFFFFFFE0, s26;
	v3 =	vsel vm6, $0x0, v3  }
0x237: {  	[tilespmem:s2+$0x0] =	vst v3;
	v4 =	vsel vm15, $0x0, v4  }
0x238: {  	[tilespmem:s2+$0xFFFFFFF0] =	vst v4  }
0x239: {  	v3 =	vld [tilespmem:$0x490];
	_ =	sdelay $0x1  }
0x23a: {  	v37 =	vimm.s32 $0xEDCBA987  }
0x23b: {  	v39 =	vimm.s32 $0x65432100;
	v5 =	vunpack.c.l.s4.s8 v37;
	v4 =	vld [tilespmem:$0x491]  }
0x23c: {  	v38 =	vlaneseq.u32;
	v45 =	vimm.s32 $0xDCBA9876;
	v7 =	vunpack.c.l.s4.s8 v39  }
0x23d: {  	v40 =	vmul.u32 $0xFFFFFFFF, v38;
	v5 =	vunpack.c.0.s8.s32 v5;
	vm7 =	vgt.f32 v3, $1.000000010e-10  }
0x23e: {  	v10 =	vunpack.c.l.s4.s8 v45;
	v7 =	vunpack.c.0.s8.s32 v7;
	vm4 =	vmneg vm7  }
0x23f: {  	v8 =	vadd.s32 $0xF, v40;
	v41 =	vand.u32 $0xF, v5;
	v3 =	vsel vm4, $0xFF7FC99E, v3  }
0x240: {  	vm8 =	vle.f32 v4, $1.000000010e-10;
	v4 =	vcombine.low v7, v41;
	v3 =	vperm.xlane v3, v8  }
0x241: {  	v42 =	vimm.s32 $0x0;
	v43 =	vperm.xlane v38, v8  }
0x242: {  	v47 =	vimm.s32 $0x54321000;
	v10 =	vunpack.c.0.s8.s32 v10;
	v44 =	vperm.xlane v3, v4  }
0x243: {  	vm9 =	veq.s32 v38, $0x0;
	vm0 =	vmor vm4, vm8;
	v46 =	vperm.xlane v43, v4  }
0x244: {  	v11 =	vunpack.c.l.s4.s8 v47;
	v5 =	vsel vm0, $0x1, v42;
	v9 =	vsel vm9, $0xFF7FC99E, v44  }
0x245: {  	v5 =	vperm.xlane v5, v8;
	vm11 =	vlt.s32 v46, v43;
	vm10 =	veq.f32 v9, v3  }
0x246: {  	v11 =	vunpack.c.0.s8.s32 v11;
	vm12 =	vgt.f32 v9, v3;
	vm3 =	vmand vm10, vm11  }
0x247: {  	v10 =	vand.u32 $0xF, v10;
	vm13 =	veq.s32 v5, $0x0;
	vm3 =	vmor vm12, vm3  }
0x248: {  	v50 =	vimm.s32 $0x32100000;
	v10 =	vcombine.low v11, v10;
	vm3 =	vmand vm13, vm3  }
0x249: {  	v49 =	vimm.s32 $0xBA987654;
	v52 =	vunpack.c.l.s4.s8 v50;
	v3 =	vsel vm3, v9, v3  }
0x24a: {  	v4 =	vperm.xlane v5, v4;
	v6 =	vsel vm3, v46, v43;
	v48 =	vperm.xlane v3, v10  }
0x24b: {  	v9 =	vunpack.c.l.s4.s8 v49;
	v11 =	vperm.xlane v6, v10  }
0x24c: {  	v7 =	vunpack.c.0.s8.s32 v52;
	v4 =	vsel vm9, $0x0, v4;
	v51 =	vsel vm1, $0xFF7FC99E, v48  }
0x24d: {  	v9 =	vunpack.c.0.s8.s32 v9;
	vm3 =	vlt.s32 v11, v6;
	vm14 =	veq.f32 v51, v3  }
0x24e: {  	v56 =	vld [tilespmem:$0x1FFF0];
	v4 =	vor.u32 v5, v4;
	vm15 =	vgt.f32 v51, v3;
	vm0 =	vmand vm14, vm3  }
0x24f: {  	vm8 =	veq.s32 v4, $0x0;
	v9 =	vand.u32 $0xF, v9;
	vm0 =	vmor vm15, vm0  }
0x250: {  	v7 =	vcombine.low v7, v9;
	vm0 =	vmand vm8, vm0  }
0x251: {  	v54 =	vimm.s32 $0xE40000;
	v53 =	vperm.xlane v4, v10;
	v3 =	vsel vm0, v51, v3  }
0x252: {  	v5 =	vunpack.c.l.s2.s4 v54;
	v6 =	vsel vm0, v11, v6;
	v55 =	vperm.xlane v3, v7  }
0x253: {  	vm9 =	vnez.u8 v56;
	v9 =	vsel vm1, $0x0, v53;
	v11 =	vperm.xlane v6, v7  }
0x254: {  	v5 =	vunpack.c.l.s4.s8 v5;
	v4 =	vor.u32 v4, v9;
	v9 =	vsel vm9, $0xFF7FC99E, v55  }
0x255: {  	v57 =	vimm.s32 $0x7060504;
	vm12 =	vlt.s32 v11, v6;
	vm11 =	veq.f32 v9, v3  }
0x256: {  	v5 =	vunpack.c.0.s8.s32 v5;
	vm10 =	vgt.f32 v9, v3;
	vm1 =	vmand vm11, vm12  }
0x257: {  	v10 =	vunpack.c.0.s8.s32 v57;
	vm13 =	veq.s32 v4, $0x0;
	vm0 =	vmor vm10, vm1  }
0x258: {  	v5 =	vand.u32 $0x3, v5;
	vm14 =	vcmask $0x3F30;
	vm0 =	vmand vm13, vm0  }
0x259: {  	v5 =	vsel vm14, v10, v5;
	v3 =	vsel vm0, v9, v3  }
0x25a: {  	v6 =	vsel vm0, v11, v6;
	v9 =	vperm.xlane v3, v5  }
0x25b: {  	vm5 =	vmmov vm2;
	v7 =	vperm.xlane v4, v7;
	v10 =	vperm.xlane v6, v5  }
0x25c: {  	v9 =	vsel vm5, $0xFF7FC99E, v9  }
0x25d: {  	v7 =	vsel vm9, $0x0, v7;
	vm6 =	vlt.s32 v10, v6;
	vm15 =	veq.f32 v9, v3  }
0x25e: {  	v4 =	vor.u32 v4, v7;
	vm7 =	vgt.f32 v9, v3;
	vm0 =	vmand vm15, vm6  }
0x25f: {  	v2 =	vperm.xlane v30, v0;
	vm8 =	veq.s32 v4, $0x0;
	vm0 =	vmor vm7, vm0  }
0x260: {  	v58 =	vperm.xlane v31, v0;
	v59 =	vperm.xlane v4, v5;
	vm0 =	vmand vm8, vm0  }
0x261: {  	v3 =	vsel vm0, v9, v3;
	v60 =	vsel vm0, v10, v6  }
0x262: {  	v1 =	vsel vm5, $0x0, v59;
	vm9 =	veq.f32 v2, v3;
	vm10 =	vlt.s32 v58, v60  }
0x263: {  	v61 =	vld [tilespmem:$0xD80];
	v1 =	vor.u32 v4, v1;
	vm11 =	vgt.f32 v2, v3;
	vm0 =	vmand vm9, vm10  }
0x264: {  	v62 =	vld [tilespmem:$0x1200];
	vm12 =	veq.s32 v1, $0x0;
	vm0 =	vmor vm11, vm0  }
0x265: {  	vm0 =	vmand vm12, vm0  }
0x266: {  	v2 =	vsel vm0, v2, v3;
	v0 =	vsel vm0, v58, v60  }
0x267: {  	v2 =	vperm.xlane v2, v8;
	v0 =	vperm.xlane v0, v8;
	_ =	sdelay $0x1  }
0x268: {  	vm13 =	veq.f32 v2, v61;
	vm14 =	vlt.s32 v0, v62  }
0x269: {  	vm15 =	vgt.f32 v2, v61;
	vm0 =	vmand vm13, vm14  }
0x26a: {  	vm0 =	vmor vm15, vm0  }
0x26b: {  	v0 =	vsel vm0, v0, v62;
	_ =	sdelay $0x3  }
0x26c: {  	s28 =	simm.s32 $0x900;
	v63 =	vld [tilespmem:$0x900]  }
0x26d: {  	v0 =	vld.idx.msk [tilespmem:v0+s28+$0x0], $0xffff;
	_ =	sdelay $0x4  }
0x26e: {  	v0 =	vsub.f32 v63, v0;
	_ =	sdelay $0x1  }
0x26f: {  	v0 =	vsel vm4, $0x0, v0  }
0x270: {  	s29 =	simm.s32 $0x0;
	s30 =	simm.s32 $0x1680;
	s31 =	simm.s32 $0x1;
	[tilespmem:$0x1680] =	vst v0  }
0x271: {  	[hbm4b:s1+s29] =	stream.linear.scatter [tilespmem:s30], [sflag:$0x1], $0x401, $0x38;
	[tilespmem:$0x1B00] =	vst v63  }
0x272: {  	_ =	swait.ge [sflag:s31], $0x401  }
0x273: {  	[sflag:s31] =	ssyncset.done $0x0  }
0x274: {  	[sflag:s31] =	ssyncadd.s32 $0xFFFFFBFF  }
0x275: {  	_ =	sfence.sel $0x180000  }
0x276: {  	[bflag:$0x0] =	sbarrier.arrive $0xFFFF  }
0x277: {  	_ =	strace $0x90000047  }
0x278: {  	s0 =	sadd.s32 $0x100000, s0;
	[bflag:$0x2] =	sbarrier.arrive $0xFFFF  }
0x279: {  	[sflag:s0] =	ssyncadd.tile.s32 $0x1;
	_ =	shalt  }
.Lfunc_end2:
_tile_overlayer_lowered:
.L_overlay_start_2:
0x27a: {  	(tag) =	ssettag $0x2  }
0x27b: {  	s0 =	rddreg [dreg:$0x0];
	s2 =	stileid.u32  }
0x27c: {  	s1 =	rddreg [dreg:$0x1];
	p0 =	sne.s32 s2, $0x0  }
0x27d: {  	s3 =	rddreg [dreg:$0x2];
	[bflag:$0x3] =	sbarrier.arrive $0xFFFF;
	s2 =	simm.s32 @!p0 $0x1C01  }
0x27e: {  	[timem:s3], [sflag:s2] =	dma.local @!p0 [hbm:s0], s1  }
0x27f: {  	s0 =	simm.s32 @!p0 $0x1  }
0x280: {  	_ =	swait.ge @!p0 [sflag:s0], s1  }
0x281: {  	s1 =	ssub.s32 @!p0 $0x0, s1;
	[sflag:s0] =	ssyncset.done @!p0 $0x0  }
0x282: {  	[sflag:s0] =	ssyncadd.s32 @!p0 s1  }
0x283: {  	[bflag:$0x3] =	sbarrier.arrive $0xFFFF  }
0x284: {  	_ =	shalt  }

</sc_bundles>
